<compile_context>
chip_gen: v7x
topology: tpu7x:2x2x1
jax: 0.10.2.dev20260603
libtpu: 0.0.44.dev20260713+nightly
codegen_flags: <defaults>
</compile_context>

<pallas_src>
import functools

import jax
import jax.numpy as jnp
from jax import lax
from jax.experimental import pallas as pl
from jax.experimental.pallas import tpu as pltpu
from jax.experimental.pallas import tpu_sc as plsc

N = 10000
E = 320000
F = 128
NG = 64
NCLS = 10
EPS = 1e-5

NC, NS = 2, 16
NW = NC * NS
EW = E // NW
FH = F // 2
ECS = E // NS
CH = 400
NPAIR = ECS // (2 * CH)
APAD = 10240
RPS = APAD // NS
DEG_R, DEG_C = 16, 1024

BLK = 2000
GRID = N // BLK

_mesh = plsc.VectorSubcoreMesh(core_axis_name="core", subcore_axis_name="sub",
                               num_cores=NC, num_subcores=NS)



NPAD = DEG_R * DEG_C
DSLICE = NPAD // NS


@functools.partial(
    pl.kernel,
    out_type=(jax.ShapeDtypeStruct((NW, NPAD), jnp.float32),
              jax.ShapeDtypeStruct((NC, NPAD), jnp.float32)),
    mesh=_mesh,
    scratch_types=[
        pltpu.VMEM((EW,), jnp.int32),
        pltpu.VMEM((NPAD,), jnp.float32),
        pltpu.VMEM((NS, DSLICE), jnp.float32),
        pltpu.VMEM((DSLICE,), jnp.float32),
    ],
    compiler_params=pltpu.CompilerParams(needs_layout_passes=False),
)
def _deg_call(r_hbm, part_hbm, out_hbm, ridx_v, deg_v, part_v, res_v):
    cid = lax.axis_index("core")
    sid = lax.axis_index("sub")

    def _z(k, _):
        deg_v[pl.ds(k * 16, 16)] = jnp.zeros((16,), jnp.float32)
        return 0
    lax.fori_loop(0, NPAD // 16, _z, 0)

    pltpu.sync_copy(r_hbm.at[pl.ds((cid * NS + sid) * EW, EW)], ridx_v)
    ones = jnp.ones((16,), jnp.float32)

    def _hist(k, _):
        idx = ridx_v[pl.ds(k * 16, 16)]
        plsc.addupdate_scatter(deg_v, [idx], ones)
        return 0
    lax.fori_loop(0, EW // 16, _hist, 0)

    pltpu.sync_copy(deg_v, part_hbm.at[cid * NS + sid])
    plsc.subcore_barrier()

    def _rd(p, _):
        pltpu.sync_copy(part_hbm.at[cid * NS + p, pl.ds(sid * DSLICE, DSLICE)],
                        part_v.at[p])
        return 0
    lax.fori_loop(0, NS, _rd, 0)

    def _red(j, _):
        acc = jnp.zeros((16,), jnp.float32)
        for p in range(NS):
            acc = acc + part_v[p, pl.ds(j * 16, 16)]
        res_v[pl.ds(j * 16, 16)] = acc
        return 0
    lax.fori_loop(0, DSLICE // 16, _red, 0)
    pltpu.sync_copy(res_v, out_hbm.at[cid, pl.ds(sid * DSLICE, DSLICE)])


@functools.partial(
    pl.kernel,
    out_type=jax.ShapeDtypeStruct((NC, APAD, FH), jnp.float32),
    mesh=_mesh,
    scratch_types=[
        pltpu.VMEM((CH,), jnp.int32),
        pltpu.VMEM((CH,), jnp.int32),
        pltpu.VMEM((CH,), jnp.int32),
        pltpu.VMEM((CH,), jnp.int32),
        pltpu.VMEM((CH, FH), jnp.float32),
        pltpu.VMEM((CH, FH), jnp.float32),
        pltpu.SemaphoreType.DMA,
        pltpu.SemaphoreType.DMA,
        pltpu.SemaphoreType.DMA,
        pltpu.SemaphoreType.DMA,
        pltpu.VMEM_SHARED((APAD, FH), jnp.float32),
    ],
    compiler_params=pltpu.CompilerParams(use_tc_tiling_on_sc=False),
)
def _agg_call(hp_hbm, r_hbm, c_hbm, out_hbm, ridx0_v, ridx1_v, cidx0_v, cidx1_v,
              rows0_v, rows1_v, sg0, sg1, ss0, ss1, agg_sp):
    cid = lax.axis_index("core")
    sid = lax.axis_index("sub")
    hp_my = hp_hbm.at[cid]
    ridx = (ridx0_v, ridx1_v)
    cidx = (cidx0_v, cidx1_v)
    rows = (rows0_v, rows1_v)
    sg = (sg0, sg1)
    ss = (ss0, ss1)

    pltpu.sync_copy(hp_my.at[pl.ds(sid * RPS, RPS)],
                    agg_sp.at[pl.ds(sid * RPS, RPS)])
    plsc.subcore_barrier()

    base0 = sid * ECS

    def _pair(k, _):
        @pl.when(k > 0)
        def _():
            for b in range(2):
                pltpu.make_async_copy(rows[b], agg_sp.at[cidx[b]], ss[b]).wait()
        base = base0 + k * (2 * CH)
        pltpu.sync_copy(r_hbm.at[pl.ds(base, CH)], ridx[0])
        pltpu.sync_copy(c_hbm.at[pl.ds(base, CH)], cidx[0])
        g0 = pltpu.async_copy(hp_my.at[ridx[0]], rows[0], sg[0])
        pltpu.sync_copy(r_hbm.at[pl.ds(base + CH, CH)], ridx[1])
        pltpu.sync_copy(c_hbm.at[pl.ds(base + CH, CH)], cidx[1])
        g1 = pltpu.async_copy(hp_my.at[ridx[1]], rows[1], sg[1])
        g0.wait()
        pltpu.async_copy(rows[0], agg_sp.at[cidx[0]], ss[0], add=True)
        g1.wait()
        pltpu.async_copy(rows[1], agg_sp.at[cidx[1]], ss[1], add=True)
        return 0
    lax.fori_loop(0, NPAIR, _pair, 0)
    for b in range(2):
        pltpu.make_async_copy(rows[b], agg_sp.at[cidx[b]], ss[b]).wait()
    plsc.subcore_barrier()

    pltpu.sync_copy(agg_sp.at[pl.ds(sid * RPS, RPS)], out_hbm.at[cid, pl.ds(sid * RPS, RPS)])



def _statsvar_body(x_ref, s1_ref, s2_ref):
    p = pl.program_id(0)
    j = pl.program_id(1)

    @pl.when((p == 0) & (j == 0))
    def _():
        s1_ref[...] = jnp.zeros_like(s1_ref)

    @pl.when(p == 0)
    def _():
        s1_ref[...] += jnp.sum(x_ref[...], axis=0, keepdims=True)

    @pl.when(p == 1)
    def _():
        @pl.when(j == 0)
        def _():
            s2_ref[...] = jnp.zeros_like(s2_ref)
        d = x_ref[...] - s1_ref[...] * (1.0 / N)
        s2_ref[...] += jnp.sum(d * d, axis=0, keepdims=True)


_statsvar_call = pl.pallas_call(
    _statsvar_body,
    grid=(2, GRID),
    in_specs=[pl.BlockSpec((BLK, F), lambda p, j: (j, 0))],
    out_specs=[pl.BlockSpec((1, F), lambda p, j: (0, 0)),
               pl.BlockSpec((1, F), lambda p, j: (0, 0))],
    out_shape=[jax.ShapeDtypeStruct((1, F), jnp.float32),
               jax.ShapeDtypeStruct((1, F), jnp.float32)],
)


def _bn_coeffs(s1, s2, g, b):
    m = s1 * (1.0 / N)
    v = s2 * (1.0 / N)
    sc = g * lax.rsqrt(v + EPS)
    return sc, b - m * sc


def _feat_body(x_ref, s1_ref, s2_ref, g_ref, b_ref, w_ref, h_ref, t1_ref):
    i = pl.program_id(0)
    sc, sh = _bn_coeffs(s1_ref[...], s2_ref[...], g_ref[...], b_ref[...])
    t = x_ref[...] * sc + sh
    h = jnp.maximum(jnp.dot(t, w_ref[...], preferred_element_type=jnp.float32, precision=lax.Precision.HIGHEST), 0.0)
    h_ref[...] = h

    @pl.when(i == 0)
    def _():
        t1_ref[...] = jnp.zeros_like(t1_ref)
    t1_ref[...] += jnp.sum(h, axis=0, keepdims=True)


_feat_call = pl.pallas_call(
    _feat_body,
    grid=(GRID,),
    in_specs=[pl.BlockSpec((BLK, F), lambda i: (i, 0)),
              pl.BlockSpec((1, F), lambda i: (0, 0)),
              pl.BlockSpec((1, F), lambda i: (0, 0)),
              pl.BlockSpec((1, F), lambda i: (0, 0)),
              pl.BlockSpec((1, F), lambda i: (0, 0)),
              pl.BlockSpec((F, F), lambda i: (0, 0))],
    out_specs=[pl.BlockSpec((BLK, F), lambda i: (i, 0)),
               pl.BlockSpec((1, F), lambda i: (0, 0))],
    out_shape=[jax.ShapeDtypeStruct((N, F), jnp.float32),
               jax.ShapeDtypeStruct((1, F), jnp.float32)],
)


def _pre_body(h_ref, s1_ref, g_ref, b_ref, w_ref, d0_ref, d1_ref,
              hp_ref, t2_ref):
    p = pl.program_id(0)
    j = pl.program_id(1)

    @pl.when(p == 0)
    def _():
        @pl.when(j == 0)
        def _():
            t2_ref[...] = jnp.zeros_like(t2_ref)
        d = h_ref[...] - s1_ref[...] * (1.0 / N)
        t2_ref[...] += jnp.sum(d * d, axis=0, keepdims=True)

    @pl.when(p == 1)
    def _():
        sc, sh = _bn_coeffs(s1_ref[...], t2_ref[...], g_ref[...], b_ref[...])
        t = h_ref[...] * sc + sh
        u = jnp.dot(t, w_ref[...], preferred_element_type=jnp.float32, precision=lax.Precision.HIGHEST)
        dis = lax.rsqrt(d0_ref[...] + d1_ref[...] + 1.0)
        hp = u * dis
        hp_ref[0] = hp[:, :FH]
        hp_ref[1] = hp[:, FH:]


_pre_call = pl.pallas_call(
    _pre_body,
    grid=(2, GRID),
    in_specs=[pl.BlockSpec((BLK, F), lambda p, j: (j, 0)),
              pl.BlockSpec((1, F), lambda p, j: (0, 0)),
              pl.BlockSpec((1, F), lambda p, j: (0, 0)),
              pl.BlockSpec((1, F), lambda p, j: (0, 0)),
              pl.BlockSpec((F, F), lambda p, j: (0, 0)),
              pl.BlockSpec((BLK, 1), lambda p, j: (j, 0)),
              pl.BlockSpec((BLK, 1), lambda p, j: (j, 0))],
    out_specs=[pl.BlockSpec((2, BLK, FH), lambda p, j: (0, j, 0)),
               pl.BlockSpec((1, F), lambda p, j: (0, 0))],
    out_shape=[jax.ShapeDtypeStruct((2, APAD, FH), jnp.float32),
               jax.ShapeDtypeStruct((1, F), jnp.float32)],
)


def _post_body(a_ref, d0_ref, d1_ref, b_ref, h_ref, t1_ref):
    i = pl.program_id(0)
    dis = lax.rsqrt(d0_ref[...] + d1_ref[...] + 1.0)
    agg = jnp.concatenate([a_ref[0], a_ref[1]], axis=1)
    h = jnp.maximum(agg * dis + b_ref[...], 0.0)
    h_ref[...] = h

    @pl.when(i == 0)
    def _():
        t1_ref[...] = jnp.zeros_like(t1_ref)
    t1_ref[...] += jnp.sum(h, axis=0, keepdims=True)


_post_call = pl.pallas_call(
    _post_body,
    grid=(GRID,),
    in_specs=[pl.BlockSpec((2, BLK, FH), lambda i: (0, i, 0)),
              pl.BlockSpec((BLK, 1), lambda i: (i, 0)),
              pl.BlockSpec((BLK, 1), lambda i: (i, 0)),
              pl.BlockSpec((1, F), lambda i: (0, 0))],
    out_specs=[pl.BlockSpec((BLK, F), lambda i: (i, 0)),
               pl.BlockSpec((1, F), lambda i: (0, 0))],
    out_shape=[jax.ShapeDtypeStruct((N, F), jnp.float32),
               jax.ShapeDtypeStruct((1, F), jnp.float32)],
)


def _pool_body(h_ref, bat_ref, p_ref):
    i = pl.program_id(0)
    bat = bat_ref[0]
    gid = lax.broadcasted_iota(jnp.int32, (NG, BLK), 0)
    mask = jnp.where(bat == gid, 1.0, 0.0)

    @pl.when(i == 0)
    def _():
        p_ref[...] = jnp.zeros_like(p_ref)
    p_ref[...] += jnp.dot(mask, h_ref[...], preferred_element_type=jnp.float32, precision=lax.Precision.HIGHEST)


_pool_call = pl.pallas_call(
    _pool_body,
    grid=(GRID,),
    in_specs=[pl.BlockSpec((BLK, F), lambda i: (i, 0)),
              pl.BlockSpec((1, 1, BLK), lambda i: (i, 0, 0))],
    out_specs=pl.BlockSpec((NG, F), lambda i: (0, 0)),
    out_shape=jax.ShapeDtypeStruct((NG, F), jnp.float32),
)


def _head_body(p_ref, g1_ref, b1_ref, wf_ref, bf_ref, g2_ref, b2_ref,
               wc_ref, bc_ref, o_ref):
    p = p_ref[...]
    m = jnp.mean(p, axis=0, keepdims=True)
    v = jnp.mean((p - m) * (p - m), axis=0, keepdims=True)
    h = g1_ref[...] * (p - m) * lax.rsqrt(v + EPS) + b1_ref[...]
    h = jnp.maximum(jnp.dot(h, wf_ref[...], preferred_element_type=jnp.float32, precision=lax.Precision.HIGHEST)
                    + bf_ref[...], 0.0)
    m2 = jnp.mean(h, axis=0, keepdims=True)
    v2 = jnp.mean((h - m2) * (h - m2), axis=0, keepdims=True)
    h = g2_ref[...] * (h - m2) * lax.rsqrt(v2 + EPS) + b2_ref[...]
    lg = jnp.dot(h, wc_ref[...], preferred_element_type=jnp.float32, precision=lax.Precision.HIGHEST) + bc_ref[...]
    mx = jnp.max(lg, axis=-1, keepdims=True)
    lse = jnp.log(jnp.sum(jnp.exp(lg - mx), axis=-1, keepdims=True)) + mx
    o_ref[...] = lg - lse


_head_call = pl.pallas_call(
    _head_body,
    out_shape=jax.ShapeDtypeStruct((NG, NCLS), jnp.float32),
)



def kernel(x, edge_index, batch, bn_feat_g, bn_feat_b, W_feat,
           bnc_g0, bnc_b0, Wc0, bc0, bnc_g1, bnc_b1, Wc1, bc1,
           bnc_g2, bnc_b2, Wc2, bc2, bn_fc_g, bn_fc_b, W_fc, b_fc,
           bn_hid_g, bn_hid_b, W_cls, b_cls):
    r = edge_index[0]
    c = edge_index[1]

    degp = _deg_call(r)[1]
    d0 = degp[0].reshape(NPAD, 1)[:N]
    d1 = degp[1].reshape(NPAD, 1)[:N]

    s1, s2 = _statsvar_call(x)
    h, t1 = _feat_call(x, s1, s2, bn_feat_g.reshape(1, F),
                       bn_feat_b.reshape(1, F), W_feat)

    gstk = jnp.stack([bnc_g0, bnc_g1, bnc_g2]).reshape(3, 1, F)
    bstk = jnp.stack([bnc_b0, bnc_b1, bnc_b2]).reshape(3, 1, F)
    Wstk = jnp.stack([Wc0, Wc1, Wc2])
    bbstk = jnp.stack([bc0, bc1, bc2]).reshape(3, 1, F)

    def _layer(carry, xs):
        hc, t1c = carry
        g, b, W, bb = xs
        hp, _ = _pre_call(hc, t1c, g, b, W, d0, d1)
        aggp = _agg_call(hp, r, c)
        hn, t1n = _post_call(aggp[:, :N], d0, d1, bb)
        return (hn, t1n), None

    (h, t1), _ = lax.scan(_layer, (h, t1), (gstk, bstk, Wstk, bbstk))

    bat3 = batch.reshape(GRID, 1, BLK)
    pooled = _pool_call(h, bat3)

    return _head_call(pooled, bn_fc_g.reshape(1, F), bn_fc_b.reshape(1, F),
                      W_fc, b_fc.reshape(1, F), bn_hid_g.reshape(1, F),
                      bn_hid_b.reshape(1, F), W_cls, b_cls.reshape(1, NCLS))

# --- scband reference (transcript-rebuilt; emitter-appended) ---
"""Pipeline reference for scband-gcnnet-8340826488980 (READ-ONLY COPY).

The authoritative reference and input builder live on the scoring server;
editing this copy changes nothing except your own understanding.
"""

import jax, jax.numpy as jnp
import numpy as np

N = 10000
E = 320000
F_IN = 128
HID = 128
NCLS = 10
NG = 64
EPS = 1e-5


def _bn(x, g, b):
    m = jnp.mean(x, axis=0, keepdims=True)
    v = jnp.var(x, axis=0, keepdims=True)
    return g * (x - m) / jnp.sqrt(v + EPS) + b


def _gcn(x, edge_index, W, b):
    n = x.shape[0]
    h = x @ W
    loop = jnp.arange(n, dtype=edge_index.dtype)
    r = jnp.concatenate([edge_index[0], loop])
    c = jnp.concatenate([edge_index[1], loop])
    ew = jnp.ones(r.shape[0], dtype=h.dtype)
    deg = jnp.zeros((n,), h.dtype).at[r].add(ew)
    dis = jnp.where(deg > 0, 1.0 / jnp.sqrt(jnp.maximum(deg, 1e-12)), 0.0)
    norm = dis[r] * ew * dis[c]
    msg = norm[:, None] * h[r]
    agg = jnp.zeros_like(h).at[c].add(msg)
    return agg + b


def setup_inputs(seed: int = 0):
    key = jax.random.key(seed)
    ks = jax.random.split(key, 10)
    inp = {}
    inp["x"] = jax.random.normal(ks[0], (N, F_IN), dtype=jnp.float32)
    inp["edge_index"] = jax.random.randint(ks[1], (2, E), 0, N, dtype=jnp.int32)
    inp["batch"] = jnp.sort(jax.random.randint(ks[2], (N,), 0, NG, dtype=jnp.int32))
    inp["bn_feat_g"] = jnp.ones((F_IN,), jnp.float32)
    inp["bn_feat_b"] = jnp.full((F_IN,), 1e-4, jnp.float32)
    inp["W_feat"] = jax.random.normal(ks[3], (F_IN, HID), jnp.float32) * 0.05
    for i in range(3):
        inp["bnc_g%d" % i] = jnp.ones((HID,), jnp.float32)
        inp["bnc_b%d" % i] = jnp.full((HID,), 1e-4, jnp.float32)
        inp["Wc%d" % i] = jax.random.normal(ks[4 + i], (HID, HID), jnp.float32) * 0.05
        inp["bc%d" % i] = jnp.zeros((HID,), jnp.float32)
    inp["bn_fc_g"] = jnp.ones((HID,), jnp.float32)
    inp["bn_fc_b"] = jnp.full((HID,), 1e-4, jnp.float32)
    inp["W_fc"] = jax.random.normal(ks[7], (HID, HID), jnp.float32) * 0.05
    inp["b_fc"] = jnp.zeros((HID,), jnp.float32)
    inp["bn_hid_g"] = jnp.ones((HID,), jnp.float32)
    inp["bn_hid_b"] = jnp.full((HID,), 1e-4, jnp.float32)
    inp["W_cls"] = jax.random.normal(ks[8], (HID, NCLS), jnp.float32) * 0.05
    inp["b_cls"] = jnp.zeros((NCLS,), jnp.float32)
    return inp


def reference(x, edge_index, batch, bn_feat_g, bn_feat_b, W_feat, bnc_g0, bnc_b0, Wc0, bc0, bnc_g1, bnc_b1, Wc1, bc1, bnc_g2, bnc_b2, Wc2, bc2, bn_fc_g, bn_fc_b, W_fc, b_fc, bn_hid_g, bn_hid_b, W_cls, b_cls):
    h = _bn(x, bn_feat_g, bn_feat_b)
    h = jax.nn.relu(h @ W_feat)  # conv_feat has gfn=True: linear only, no propagation, no bias
    for g, bt, W, bb in ((bnc_g0, bnc_b0, Wc0, bc0), (bnc_g1, bnc_b1, Wc1, bc1), (bnc_g2, bnc_b2, Wc2, bc2)):
        h = _bn(h, g, bt)
        h = jax.nn.relu(_gcn(h, edge_index, W, bb))
    pooled = jnp.zeros((NG, h.shape[1]), h.dtype).at[batch].add(h)  # global_add_pool
    h = _bn(pooled, bn_fc_g, bn_fc_b)
    h = jax.nn.relu(h @ W_fc + b_fc)
    h = _bn(h, bn_hid_g, bn_hid_b)
    logits = h @ W_cls + b_cls
    return jax.nn.log_softmax(logits, axis=-1)

if __name__ == "__main__":
    import jax
    _d = setup_inputs()
    print(jax.jit(kernel)(*tuple(_d.values())))

</pallas_src>

<mosaic_0001>
#map = affine_map<(d0, d1) -> (0)>
#map1 = affine_map<(d0, d1) -> (0, 0)>
module attributes {stable_mosaic.version = 14 : i64} {
  func.func @_deg_call(%arg0: i32, %arg1: i32, %arg2: memref<320000xi32, #tpu.memory_space<hbm>>, %arg3: memref<32x16384xf32, #tpu.memory_space<hbm>>, %arg4: memref<2x16384xf32, #tpu.memory_space<hbm>>, %arg5: memref<10000xi32, #tpu.memory_space<vmem>>, %arg6: memref<16384xf32, #tpu.memory_space<vmem>>, %arg7: memref<16x1024xf32, #tpu.memory_space<vmem>>, %arg8: memref<1024xf32, #tpu.memory_space<vmem>>) attributes {dimension_semantics = [#tpu.dimension_semantics<core_parallel>, #tpu.dimension_semantics<subcore_parallel>], iteration_bounds = array<i64: 2, 16>, scalar_prefetch = 0 : i64, scratch_operands = 4 : i64, tpu.core_type = #tpu.core_type<sc_vector_subcore>, window_params = [{transform_indices = #map}, {transform_indices = #map1}, {transform_indices = #map1}]} {
    %scan3A = arith.constant 0 : i32
    %scan3A_0 = arith.constant 0 : i32
    %scan3A_1 = arith.constant 1024 : i32
    %scan3A_2 = arith.addi %scan3A_0, %scan3A_1 : i32
    %scan3A_3 = arith.constant 1 : i32
    %scan3A_4 = scf.for %scan3A_36 = %scan3A_0 to %scan3A_2 step %scan3A_3 iter_args(%scan3A_37 = %scan3A) -> (i32)  : i32 {
      %broadcast_in_dim3A_38 = arith.constant 0.000000e+00 : f32
      %broadcast_in_dim3A_39 = vector.broadcast %broadcast_in_dim3A_38 : f32 to vector<16xf32>
      %mul3A_40 = arith.constant 16 : i32
      %mul3A_41 = arith.muli %scan3A_36, %mul3A_40 : i32
      %swap3A = arith.index_cast %mul3A_41 : i32 to index
      %swap3A_42 = tpu.vector_load %arg6[%swap3A] {strides = array<i32>} : memref<16384xf32, #tpu.memory_space<vmem>>, vector<16xf32>,
      tpu.vector_store %arg6[%swap3A], %broadcast_in_dim3A_39 {strides = array<i32>} : memref<16384xf32, #tpu.memory_space<vmem>>, vector<16xf32>,
      %scan3A_43 = arith.constant 0 : i32
      scf.yield %scan3A_43 : i32
    }
    %scan3A_5 = arith.constant 1024 : i32
    %mul3A = arith.constant 16 : i32
    %mul3A_6 = arith.muli %arg0, %mul3A : i32
    %add3A = arith.addi %mul3A_6, %arg1 : i32
    %mul3A_7 = arith.constant 10000 : i32
    %mul3A_8 = arith.muli %add3A, %mul3A_7 : i32
    "tpu.region"() ({
      %run_scoped3A = tpu.sem_alloc : memref<!tpu.dma_semaphore, #tpu.memory_space<semaphore_mem>>
      %dma_start3A = tpu.memref_slice %arg2[%mul3A_8] : memref<320000xi32, #tpu.memory_space<hbm>> -> memref<10000xi32, #tpu.memory_space<hbm>>
      %dma_start3A_36 = tpu.memref_slice %arg2[%mul3A_8] : memref<320000xi32, #tpu.memory_space<hbm>> -> memref<10000xi32, #tpu.memory_space<hbm>>
      tpu.enqueue_dma source(%dma_start3A_36 : memref<10000xi32, #tpu.memory_space<hbm>>) target(%arg5 : memref<10000xi32, #tpu.memory_space<vmem>>) target_semaphore(%run_scoped3A : memref<!tpu.dma_semaphore, #tpu.memory_space<semaphore_mem>>)
      %dma_wait3A = tpu.memref_slice %arg2[%mul3A_8] : memref<320000xi32, #tpu.memory_space<hbm>> -> memref<10000xi32, #tpu.memory_space<hbm>>
      %dma_wait3A_37 = tpu.memref_slice %arg2[%mul3A_8] : memref<320000xi32, #tpu.memory_space<hbm>> -> memref<10000xi32, #tpu.memory_space<hbm>>
      tpu.wait_dma2 semaphore(%run_scoped3A : memref<!tpu.dma_semaphore, #tpu.memory_space<semaphore_mem>>) src(%dma_wait3A_37 : memref<10000xi32, #tpu.memory_space<hbm>>) dst(%arg5 : memref<10000xi32, #tpu.memory_space<vmem>>)
      tpu.yield
    }) : () -> ()
    %broadcast_in_dim3A = arith.constant 1.000000e+00 : f32
    %broadcast_in_dim3A_9 = vector.broadcast %broadcast_in_dim3A : f32 to vector<16xf32>
    %scan3A_10 = arith.constant 0 : i32
    %scan3A_11 = arith.constant 0 : i32
    %scan3A_12 = arith.constant 625 : i32
    %scan3A_13 = arith.addi %scan3A_11, %scan3A_12 : i32
    %scan3A_14 = arith.constant 1 : i32
    %scan3A_15 = scf.for %scan3A_36 = %scan3A_11 to %scan3A_13 step %scan3A_14 iter_args(%scan3A_37 = %scan3A_10) -> (i32)  : i32 {
      %mul3A_38 = arith.constant 16 : i32
      %mul3A_39 = arith.muli %scan3A_36, %mul3A_38 : i32
      %get3A = arith.index_cast %mul3A_39 : i32 to index
      %get3A_40 = tpu.vector_load %arg5[%get3A] {strides = array<i32>} : memref<10000xi32, #tpu.memory_space<vmem>>, vector<16xi32>,
      tpu.vector_store_idx %arg6[%get3A_40], %broadcast_in_dim3A_9 {add = true} : memref<16384xf32, #tpu.memory_space<vmem>>[vector<16xi32>], vector<16xf32>,
      %scan3A_41 = arith.constant 0 : i32
      scf.yield %scan3A_41 : i32
    }
    %scan3A_16 = arith.constant 625 : i32
    %mul3A_17 = arith.constant 16 : i32
    %mul3A_18 = arith.muli %arg0, %mul3A_17 : i32
    %add3A_19 = arith.addi %mul3A_18, %arg1 : i32
    "tpu.region"() ({
      %run_scoped3A = tpu.sem_alloc : memref<!tpu.dma_semaphore, #tpu.memory_space<semaphore_mem>>
      %dma_start3A = arith.constant 0 : i32
      %dma_start3A_36 = tpu.memref_slice %arg3[%add3A_19, %dma_start3A] : memref<32x16384xf32, #tpu.memory_space<hbm>> -> memref<1x16384xf32, #tpu.memory_space<hbm>>
      %dma_start3A_37 = tpu.memref_squeeze %dma_start3A_36 : memref<1x16384xf32, #tpu.memory_space<hbm>> -> memref<16384xf32, #tpu.memory_space<hbm>>
      %dma_start3A_38 = arith.constant 0 : i32
      %dma_start3A_39 = tpu.memref_slice %arg3[%add3A_19, %dma_start3A_38] : memref<32x16384xf32, #tpu.memory_space<hbm>> -> memref<1x16384xf32, #tpu.memory_space<hbm>>
      %dma_start3A_40 = tpu.memref_squeeze %dma_start3A_39 : memref<1x16384xf32, #tpu.memory_space<hbm>> -> memref<16384xf32, #tpu.memory_space<hbm>>
      tpu.enqueue_dma source(%arg6 : memref<16384xf32, #tpu.memory_space<vmem>>) target(%dma_start3A_40 : memref<16384xf32, #tpu.memory_space<hbm>>) target_semaphore(%run_scoped3A : memref<!tpu.dma_semaphore, #tpu.memory_space<semaphore_mem>>)
      %dma_wait3A = arith.constant 0 : i32
      %dma_wait3A_41 = tpu.memref_slice %arg3[%add3A_19, %dma_wait3A] : memref<32x16384xf32, #tpu.memory_space<hbm>> -> memref<1x16384xf32, #tpu.memory_space<hbm>>
      %dma_wait3A_42 = tpu.memref_squeeze %dma_wait3A_41 : memref<1x16384xf32, #tpu.memory_space<hbm>> -> memref<16384xf32, #tpu.memory_space<hbm>>
      %dma_wait3A_43 = arith.constant 0 : i32
      %dma_wait3A_44 = tpu.memref_slice %arg3[%add3A_19, %dma_wait3A_43] : memref<32x16384xf32, #tpu.memory_space<hbm>> -> memref<1x16384xf32, #tpu.memory_space<hbm>>
      %dma_wait3A_45 = tpu.memref_squeeze %dma_wait3A_44 : memref<1x16384xf32, #tpu.memory_space<hbm>> -> memref<16384xf32, #tpu.memory_space<hbm>>
      tpu.wait_dma2 semaphore(%run_scoped3A : memref<!tpu.dma_semaphore, #tpu.memory_space<semaphore_mem>>) src(%arg6 : memref<16384xf32, #tpu.memory_space<vmem>>) dst(%dma_wait3A_45 : memref<16384xf32, #tpu.memory_space<hbm>>)
      tpu.yield
    }) : () -> ()
    %barrier3A = arith.constant 0 : index
    tpu.barrier barrier_id(%barrier3A)
    %scan3A_20 = arith.constant 0 : i32
    %scan3A_21 = arith.constant 0 : i32
    %scan3A_22 = arith.constant 16 : i32
    %scan3A_23 = arith.addi %scan3A_21, %scan3A_22 : i32
    %scan3A_24 = arith.constant 1 : i32
    %scan3A_25 = scf.for %scan3A_36 = %scan3A_21 to %scan3A_23 step %scan3A_24 iter_args(%scan3A_37 = %scan3A_20) -> (i32)  : i32 {
      %mul3A_38 = arith.constant 16 : i32
      %mul3A_39 = arith.muli %arg0, %mul3A_38 : i32
      %add3A_40 = arith.addi %mul3A_39, %scan3A_36 : i32
      %mul3A_41 = arith.constant 1024 : i32
      %mul3A_42 = arith.muli %arg1, %mul3A_41 : i32
      "tpu.region"() ({
        %run_scoped3A = tpu.sem_alloc : memref<!tpu.dma_semaphore, #tpu.memory_space<semaphore_mem>>
        %dma_start3A = arith.constant 0 : i32
        %dma_start3A_44 = tpu.memref_slice %arg7[%scan3A_36, %dma_start3A] : memref<16x1024xf32, #tpu.memory_space<vmem>> -> memref<1x1024xf32, #tpu.memory_space<vmem>>
        %dma_start3A_45 = tpu.memref_squeeze %dma_start3A_44 : memref<1x1024xf32, #tpu.memory_space<vmem>> -> memref<1024xf32, #tpu.memory_space<vmem>>
        %dma_start3A_46 = tpu.memref_slice %arg3[%add3A_40, %mul3A_42] : memref<32x16384xf32, #tpu.memory_space<hbm>> -> memref<1x1024xf32, #tpu.memory_space<hbm>>
        %dma_start3A_47 = tpu.memref_squeeze %dma_start3A_46 : memref<1x1024xf32, #tpu.memory_space<hbm>> -> memref<1024xf32, #tpu.memory_space<hbm>>
        %dma_start3A_48 = arith.constant 0 : i32
        %dma_start3A_49 = tpu.memref_slice %arg7[%scan3A_36, %dma_start3A_48] : memref<16x1024xf32, #tpu.memory_space<vmem>> -> memref<1x1024xf32, #tpu.memory_space<vmem>>
        %dma_start3A_50 = tpu.memref_squeeze %dma_start3A_49 : memref<1x1024xf32, #tpu.memory_space<vmem>> -> memref<1024xf32, #tpu.memory_space<vmem>>
        %dma_start3A_51 = tpu.memref_slice %arg3[%add3A_40, %mul3A_42] : memref<32x16384xf32, #tpu.memory_space<hbm>> -> memref<1x1024xf32, #tpu.memory_space<hbm>>
        %dma_start3A_52 = tpu.memref_squeeze %dma_start3A_51 : memref<1x1024xf32, #tpu.memory_space<hbm>> -> memref<1024xf32, #tpu.memory_space<hbm>>
        tpu.enqueue_dma source(%dma_start3A_52 : memref<1024xf32, #tpu.memory_space<hbm>>) target(%dma_start3A_50 : memref<1024xf32, #tpu.memory_space<vmem>>) target_semaphore(%run_scoped3A : memref<!tpu.dma_semaphore, #tpu.memory_space<semaphore_mem>>)
        %dma_wait3A = arith.constant 0 : i32
        %dma_wait3A_53 = tpu.memref_slice %arg7[%scan3A_36, %dma_wait3A] : memref<16x1024xf32, #tpu.memory_space<vmem>> -> memref<1x1024xf32, #tpu.memory_space<vmem>>
        %dma_wait3A_54 = tpu.memref_squeeze %dma_wait3A_53 : memref<1x1024xf32, #tpu.memory_space<vmem>> -> memref<1024xf32, #tpu.memory_space<vmem>>
        %dma_wait3A_55 = tpu.memref_slice %arg3[%add3A_40, %mul3A_42] : memref<32x16384xf32, #tpu.memory_space<hbm>> -> memref<1x1024xf32, #tpu.memory_space<hbm>>
        %dma_wait3A_56 = tpu.memref_squeeze %dma_wait3A_55 : memref<1x1024xf32, #tpu.memory_space<hbm>> -> memref<1024xf32, #tpu.memory_space<hbm>>
        %dma_wait3A_57 = arith.constant 0 : i32
        %dma_wait3A_58 = tpu.memref_slice %arg7[%scan3A_36, %dma_wait3A_57] : memref<16x1024xf32, #tpu.memory_space<vmem>> -> memref<1x1024xf32, #tpu.memory_space<vmem>>
        %dma_wait3A_59 = tpu.memref_squeeze %dma_wait3A_58 : memref<1x1024xf32, #tpu.memory_space<vmem>> -> memref<1024xf32, #tpu.memory_space<vmem>>
        %dma_wait3A_60 = tpu.memref_slice %arg3[%add3A_40, %mul3A_42] : memref<32x16384xf32, #tpu.memory_space<hbm>> -> memref<1x1024xf32, #tpu.memory_space<hbm>>
        %dma_wait3A_61 = tpu.memref_squeeze %dma_wait3A_60 : memref<1x1024xf32, #tpu.memory_space<hbm>> -> memref<1024xf32, #tpu.memory_space<hbm>>
        tpu.wait_dma2 semaphore(%run_scoped3A : memref<!tpu.dma_semaphore, #tpu.memory_space<semaphore_mem>>) src(%dma_wait3A_61 : memref<1024xf32, #tpu.memory_space<hbm>>) dst(%dma_wait3A_59 : memref<1024xf32, #tpu.memory_space<vmem>>)
        tpu.yield
      }) : () -> ()
      %scan3A_43 = arith.constant 0 : i32
      scf.yield %scan3A_43 : i32
    }
    %scan3A_26 = arith.constant 16 : i32
    %scan3A_27 = arith.constant 0 : i32
    %scan3A_28 = arith.constant 0 : i32
    %scan3A_29 = arith.constant 64 : i32
    %scan3A_30 = arith.addi %scan3A_28, %scan3A_29 : i32
    %scan3A_31 = arith.constant 1 : i32
    %scan3A_32 = scf.for %scan3A_36 = %scan3A_28 to %scan3A_30 step %scan3A_31 iter_args(%scan3A_37 = %scan3A_27) -> (i32)  : i32 {
      %broadcast_in_dim3A_38 = arith.constant 0.000000e+00 : f32
      %broadcast_in_dim3A_39 = vector.broadcast %broadcast_in_dim3A_38 : f32 to vector<16xf32>
      %mul3A_40 = arith.constant 16 : i32
      %mul3A_41 = arith.muli %scan3A_36, %mul3A_40 : i32
      %get3A = arith.constant 0 : i32
      %get3A_42 = arith.index_cast %get3A : i32 to index
      %get3A_43 = arith.index_cast %mul3A_41 : i32 to index
      %get3A_44 = tpu.vector_load %arg7[%get3A_42, %get3A_43] {strides = array<i32>} : memref<16x1024xf32, #tpu.memory_space<vmem>>, vector<16xf32>,
      %add3A_45 = arith.addf %broadcast_in_dim3A_39, %get3A_44 : vector<16xf32>
      %mul3A_46 = arith.constant 16 : i32
      %mul3A_47 = arith.muli %scan3A_36, %mul3A_46 : i32
      %get3A_48 = arith.constant 1 : i32
      %get3A_49 = arith.index_cast %get3A_48 : i32 to index
      %get3A_50 = arith.index_cast %mul3A_47 : i32 to index
      %get3A_51 = tpu.vector_load %arg7[%get3A_49, %get3A_50] {strides = array<i32>} : memref<16x1024xf32, #tpu.memory_space<vmem>>, vector<16xf32>,
      %add3A_52 = arith.addf %add3A_45, %get3A_51 : vector<16xf32>
      %mul3A_53 = arith.constant 16 : i32
      %mul3A_54 = arith.muli %scan3A_36, %mul3A_53 : i32
      %get3A_55 = arith.constant 2 : i32
      %get3A_56 = arith.index_cast %get3A_55 : i32 to index
      %get3A_57 = arith.index_cast %mul3A_54 : i32 to index
      %get3A_58 = tpu.vector_load %arg7[%get3A_56, %get3A_57] {strides = array<i32>} : memref<16x1024xf32, #tpu.memory_space<vmem>>, vector<16xf32>,
      %add3A_59 = arith.addf %add3A_52, %get3A_58 : vector<16xf32>
      %mul3A_60 = arith.constant 16 : i32
      %mul3A_61 = arith.muli %scan3A_36, %mul3A_60 : i32
      %get3A_62 = arith.constant 3 : i32
      %get3A_63 = arith.index_cast %get3A_62 : i32 to index
      %get3A_64 = arith.index_cast %mul3A_61 : i32 to index
      %get3A_65 = tpu.vector_load %arg7[%get3A_63, %get3A_64] {strides = array<i32>} : memref<16x1024xf32, #tpu.memory_space<vmem>>, vector<16xf32>,
      %add3A_66 = arith.addf %add3A_59, %get3A_65 : vector<16xf32>
      %mul3A_67 = arith.constant 16 : i32
      %mul3A_68 = arith.muli %scan3A_36, %mul3A_67 : i32
      %get3A_69 = arith.constant 4 : i32
      %get3A_70 = arith.index_cast %get3A_69 : i32 to index
      %get3A_71 = arith.index_cast %mul3A_68 : i32 to index
      %get3A_72 = tpu.vector_load %arg7[%get3A_70, %get3A_71] {strides = array<i32>} : memref<16x1024xf32, #tpu.memory_space<vmem>>, vector<16xf32>,
      %add3A_73 = arith.addf %add3A_66, %get3A_72 : vector<16xf32>
      %mul3A_74 = arith.constant 16 : i32
      %mul3A_75 = arith.muli %scan3A_36, %mul3A_74 : i32
      %get3A_76 = arith.constant 5 : i32
      %get3A_77 = arith.index_cast %get3A_76 : i32 to index
      %get3A_78 = arith.index_cast %mul3A_75 : i32 to index
      %get3A_79 = tpu.vector_load %arg7[%get3A_77, %get3A_78] {strides = array<i32>} : memref<16x1024xf32, #tpu.memory_space<vmem>>, vector<16xf32>,
      %add3A_80 = arith.addf %add3A_73, %get3A_79 : vector<16xf32>
      %mul3A_81 = arith.constant 16 : i32
      %mul3A_82 = arith.muli %scan3A_36, %mul3A_81 : i32
      %get3A_83 = arith.constant 6 : i32
      %get3A_84 = arith.index_cast %get3A_83 : i32 to index
      %get3A_85 = arith.index_cast %mul3A_82 : i32 to index
      %get3A_86 = tpu.vector_load %arg7[%get3A_84, %get3A_85] {strides = array<i32>} : memref<16x1024xf32, #tpu.memory_space<vmem>>, vector<16xf32>,
      %add3A_87 = arith.addf %add3A_80, %get3A_86 : vector<16xf32>
      %mul3A_88 = arith.constant 16 : i32
      %mul3A_89 = arith.muli %scan3A_36, %mul3A_88 : i32
      %get3A_90 = arith.constant 7 : i32
      %get3A_91 = arith.index_cast %get3A_90 : i32 to index
      %get3A_92 = arith.index_cast %mul3A_89 : i32 to index
      %get3A_93 = tpu.vector_load %arg7[%get3A_91, %get3A_92] {strides = array<i32>} : memref<16x1024xf32, #tpu.memory_space<vmem>>, vector<16xf32>,
      %add3A_94 = arith.addf %add3A_87, %get3A_93 : vector<16xf32>
      %mul3A_95 = arith.constant 16 : i32
      %mul3A_96 = arith.muli %scan3A_36, %mul3A_95 : i32
      %get3A_97 = arith.constant 8 : i32
      %get3A_98 = arith.index_cast %get3A_97 : i32 to index
      %get3A_99 = arith.index_cast %mul3A_96 : i32 to index
      %get3A_100 = tpu.vector_load %arg7[%get3A_98, %get3A_99] {strides = array<i32>} : memref<16x1024xf32, #tpu.memory_space<vmem>>, vector<16xf32>,
      %add3A_101 = arith.addf %add3A_94, %get3A_100 : vector<16xf32>
      %mul3A_102 = arith.constant 16 : i32
      %mul3A_103 = arith.muli %scan3A_36, %mul3A_102 : i32
      %get3A_104 = arith.constant 9 : i32
      %get3A_105 = arith.index_cast %get3A_104 : i32 to index
      %get3A_106 = arith.index_cast %mul3A_103 : i32 to index
      %get3A_107 = tpu.vector_load %arg7[%get3A_105, %get3A_106] {strides = array<i32>} : memref<16x1024xf32, #tpu.memory_space<vmem>>, vector<16xf32>,
      %add3A_108 = arith.addf %add3A_101, %get3A_107 : vector<16xf32>
      %mul3A_109 = arith.constant 16 : i32
      %mul3A_110 = arith.muli %scan3A_36, %mul3A_109 : i32
      %get3A_111 = arith.constant 10 : i32
      %get3A_112 = arith.index_cast %get3A_111 : i32 to index
      %get3A_113 = arith.index_cast %mul3A_110 : i32 to index
      %get3A_114 = tpu.vector_load %arg7[%get3A_112, %get3A_113] {strides = array<i32>} : memref<16x1024xf32, #tpu.memory_space<vmem>>, vector<16xf32>,
      %add3A_115 = arith.addf %add3A_108, %get3A_114 : vector<16xf32>
      %mul3A_116 = arith.constant 16 : i32
      %mul3A_117 = arith.muli %scan3A_36, %mul3A_116 : i32
      %get3A_118 = arith.constant 11 : i32
      %get3A_119 = arith.index_cast %get3A_118 : i32 to index
      %get3A_120 = arith.index_cast %mul3A_117 : i32 to index
      %get3A_121 = tpu.vector_load %arg7[%get3A_119, %get3A_120] {strides = array<i32>} : memref<16x1024xf32, #tpu.memory_space<vmem>>, vector<16xf32>,
      %add3A_122 = arith.addf %add3A_115, %get3A_121 : vector<16xf32>
      %mul3A_123 = arith.constant 16 : i32
      %mul3A_124 = arith.muli %scan3A_36, %mul3A_123 : i32
      %get3A_125 = arith.constant 12 : i32
      %get3A_126 = arith.index_cast %get3A_125 : i32 to index
      %get3A_127 = arith.index_cast %mul3A_124 : i32 to index
      %get3A_128 = tpu.vector_load %arg7[%get3A_126, %get3A_127] {strides = array<i32>} : memref<16x1024xf32, #tpu.memory_space<vmem>>, vector<16xf32>,
      %add3A_129 = arith.addf %add3A_122, %get3A_128 : vector<16xf32>
      %mul3A_130 = arith.constant 16 : i32
      %mul3A_131 = arith.muli %scan3A_36, %mul3A_130 : i32
      %get3A_132 = arith.constant 13 : i32
      %get3A_133 = arith.index_cast %get3A_132 : i32 to index
      %get3A_134 = arith.index_cast %mul3A_131 : i32 to index
      %get3A_135 = tpu.vector_load %arg7[%get3A_133, %get3A_134] {strides = array<i32>} : memref<16x1024xf32, #tpu.memory_space<vmem>>, vector<16xf32>,
      %add3A_136 = arith.addf %add3A_129, %get3A_135 : vector<16xf32>
      %mul3A_137 = arith.constant 16 : i32
      %mul3A_138 = arith.muli %scan3A_36, %mul3A_137 : i32
      %get3A_139 = arith.constant 14 : i32
      %get3A_140 = arith.index_cast %get3A_139 : i32 to index
      %get3A_141 = arith.index_cast %mul3A_138 : i32 to index
      %get3A_142 = tpu.vector_load %arg7[%get3A_140, %get3A_141] {strides = array<i32>} : memref<16x1024xf32, #tpu.memory_space<vmem>>, vector<16xf32>,
      %add3A_143 = arith.addf %add3A_136, %get3A_142 : vector<16xf32>
      %mul3A_144 = arith.constant 16 : i32
      %mul3A_145 = arith.muli %scan3A_36, %mul3A_144 : i32
      %get3A_146 = arith.constant 15 : i32
      %get3A_147 = arith.index_cast %get3A_146 : i32 to index
      %get3A_148 = arith.index_cast %mul3A_145 : i32 to index
      %get3A_149 = tpu.vector_load %arg7[%get3A_147, %get3A_148] {strides = array<i32>} : memref<16x1024xf32, #tpu.memory_space<vmem>>, vector<16xf32>,
      %add3A_150 = arith.addf %add3A_143, %get3A_149 : vector<16xf32>
      %mul3A_151 = arith.constant 16 : i32
      %mul3A_152 = arith.muli %scan3A_36, %mul3A_151 : i32
      %swap3A = arith.index_cast %mul3A_152 : i32 to index
      %swap3A_153 = tpu.vector_load %arg8[%swap3A] {strides = array<i32>} : memref<1024xf32, #tpu.memory_space<vmem>>, vector<16xf32>,
      tpu.vector_store %arg8[%swap3A], %add3A_150 {strides = array<i32>} : memref<1024xf32, #tpu.memory_space<vmem>>, vector<16xf32>,
      %scan3A_154 = arith.constant 0 : i32
      scf.yield %scan3A_154 : i32
    }
    %scan3A_33 = arith.constant 64 : i32
    %mul3A_34 = arith.constant 1024 : i32
    %mul3A_35 = arith.muli %arg1, %mul3A_34 : i32
    "tpu.region"() ({
      %run_scoped3A = tpu.sem_alloc : memref<!tpu.dma_semaphore, #tpu.memory_space<semaphore_mem>>
      %dma_start3A = tpu.memref_slice %arg4[%arg0, %mul3A_35] : memref<2x16384xf32, #tpu.memory_space<hbm>> -> memref<1x1024xf32, #tpu.memory_space<hbm>>
      %dma_start3A_36 = tpu.memref_squeeze %dma_start3A : memref<1x1024xf32, #tpu.memory_space<hbm>> -> memref<1024xf32, #tpu.memory_space<hbm>>
      %dma_start3A_37 = tpu.memref_slice %arg4[%arg0, %mul3A_35] : memref<2x16384xf32, #tpu.memory_space<hbm>> -> memref<1x1024xf32, #tpu.memory_space<hbm>>
      %dma_start3A_38 = tpu.memref_squeeze %dma_start3A_37 : memref<1x1024xf32, #tpu.memory_space<hbm>> -> memref<1024xf32, #tpu.memory_space<hbm>>
      tpu.enqueue_dma source(%arg8 : memref<1024xf32, #tpu.memory_space<vmem>>) target(%dma_start3A_38 : memref<1024xf32, #tpu.memory_space<hbm>>) target_semaphore(%run_scoped3A : memref<!tpu.dma_semaphore, #tpu.memory_space<semaphore_mem>>)
      %dma_wait3A = tpu.memref_slice %arg4[%arg0, %mul3A_35] : memref<2x16384xf32, #tpu.memory_space<hbm>> -> memref<1x1024xf32, #tpu.memory_space<hbm>>
      %dma_wait3A_39 = tpu.memref_squeeze %dma_wait3A : memref<1x1024xf32, #tpu.memory_space<hbm>> -> memref<1024xf32, #tpu.memory_space<hbm>>
      %dma_wait3A_40 = tpu.memref_slice %arg4[%arg0, %mul3A_35] : memref<2x16384xf32, #tpu.memory_space<hbm>> -> memref<1x1024xf32, #tpu.memory_space<hbm>>
      %dma_wait3A_41 = tpu.memref_squeeze %dma_wait3A_40 : memref<1x1024xf32, #tpu.memory_space<hbm>> -> memref<1024xf32, #tpu.memory_space<hbm>>
      tpu.wait_dma2 semaphore(%run_scoped3A : memref<!tpu.dma_semaphore, #tpu.memory_space<semaphore_mem>>) src(%arg8 : memref<1024xf32, #tpu.memory_space<vmem>>) dst(%dma_wait3A_41 : memref<1024xf32, #tpu.memory_space<hbm>>)
      tpu.yield
    }) : () -> ()
    return
  }
}

#map = affine_map<(d0, d1) -> (0, 0, 0)>
#map1 = affine_map<(d0, d1) -> (0)>
module attributes {stable_mosaic.version = 14 : i64} {
  func.func @_agg_call(%arg0: i32, %arg1: i32, %arg2: memref<2x10240x64xf32, #tpu.memory_space<hbm>>, %arg3: memref<320000xi32, #tpu.memory_space<hbm>>, %arg4: memref<320000xi32, #tpu.memory_space<hbm>>, %arg5: memref<2x10240x64xf32, #tpu.memory_space<hbm>>, %arg6: memref<400xi32, #tpu.memory_space<vmem>>, %arg7: memref<400xi32, #tpu.memory_space<vmem>>, %arg8: memref<400xi32, #tpu.memory_space<vmem>>, %arg9: memref<400xi32, #tpu.memory_space<vmem>>, %arg10: memref<400x64xf32, #tpu.memory_space<vmem>>, %arg11: memref<400x64xf32, #tpu.memory_space<vmem>>, %arg12: memref<!tpu.dma_semaphore, #tpu.memory_space<semaphore_mem>>, %arg13: memref<!tpu.dma_semaphore, #tpu.memory_space<semaphore_mem>>, %arg14: memref<!tpu.dma_semaphore, #tpu.memory_space<semaphore_mem>>, %arg15: memref<!tpu.dma_semaphore, #tpu.memory_space<semaphore_mem>>, %arg16: memref<10240x64xf32, #tpu.memory_space<vmem_shared>>) attributes {dimension_semantics = [#tpu.dimension_semantics<core_parallel>, #tpu.dimension_semantics<subcore_parallel>], iteration_bounds = array<i64: 2, 16>, scalar_prefetch = 0 : i64, scratch_operands = 11 : i64, tpu.core_type = #tpu.core_type<sc_vector_subcore>, window_params = [{transform_indices = #map}, {transform_indices = #map1}, {transform_indices = #map1}, {transform_indices = #map}]} {
    %mul3A = arith.constant 640 : i32
    %mul3A_0 = arith.muli %arg1, %mul3A : i32
    %mul3A_1 = arith.constant 640 : i32
    %mul3A_2 = arith.muli %arg1, %mul3A_1 : i32
    "tpu.region"() ({
      %run_scoped3A = tpu.sem_alloc : memref<!tpu.dma_semaphore, #tpu.memory_space<semaphore_mem>>
      %dma_start3A = arith.constant 0 : i32
      %dma_start3A_21 = tpu.memref_slice %arg16[%mul3A_2, %dma_start3A] : memref<10240x64xf32, #tpu.memory_space<vmem_shared>> -> memref<640x64xf32, #tpu.memory_space<vmem_shared>>
      %dma_start3A_22 = arith.constant 0 : i32
      %dma_start3A_23 = arith.constant 0 : i32
      %dma_start3A_24 = tpu.memref_slice %arg2[%arg0, %dma_start3A_22, %dma_start3A_23] : memref<2x10240x64xf32, #tpu.memory_space<hbm>> -> memref<1x10240x64xf32, #tpu.memory_space<hbm>>
      %dma_start3A_25 = tpu.memref_squeeze %dma_start3A_24 : memref<1x10240x64xf32, #tpu.memory_space<hbm>> -> memref<10240x64xf32, #tpu.memory_space<hbm>>
      %dma_start3A_26 = arith.constant 0 : i32
      %dma_start3A_27 = tpu.memref_slice %dma_start3A_25[%mul3A_0, %dma_start3A_26] : memref<10240x64xf32, #tpu.memory_space<hbm>> -> memref<640x64xf32, #tpu.memory_space<hbm>>
      tpu.enqueue_dma source(%dma_start3A_27 : memref<640x64xf32, #tpu.memory_space<hbm>>) target(%dma_start3A_21 : memref<640x64xf32, #tpu.memory_space<vmem_shared>>) target_semaphore(%run_scoped3A : memref<!tpu.dma_semaphore, #tpu.memory_space<semaphore_mem>>)
      %dma_wait3A_28 = arith.constant 0 : i32
      %dma_wait3A_29 = tpu.memref_slice %arg16[%mul3A_2, %dma_wait3A_28] : memref<10240x64xf32, #tpu.memory_space<vmem_shared>> -> memref<640x64xf32, #tpu.memory_space<vmem_shared>>
      %dma_wait3A_30 = arith.constant 0 : i32
      %dma_wait3A_31 = arith.constant 0 : i32
      %dma_wait3A_32 = tpu.memref_slice %arg2[%arg0, %dma_wait3A_30, %dma_wait3A_31] : memref<2x10240x64xf32, #tpu.memory_space<hbm>> -> memref<1x10240x64xf32, #tpu.memory_space<hbm>>
      %dma_wait3A_33 = tpu.memref_squeeze %dma_wait3A_32 : memref<1x10240x64xf32, #tpu.memory_space<hbm>> -> memref<10240x64xf32, #tpu.memory_space<hbm>>
      %dma_wait3A_34 = arith.constant 0 : i32
      %dma_wait3A_35 = tpu.memref_slice %dma_wait3A_33[%mul3A_0, %dma_wait3A_34] : memref<10240x64xf32, #tpu.memory_space<hbm>> -> memref<640x64xf32, #tpu.memory_space<hbm>>
      tpu.wait_dma2 semaphore(%run_scoped3A : memref<!tpu.dma_semaphore, #tpu.memory_space<semaphore_mem>>) src(%dma_wait3A_35 : memref<640x64xf32, #tpu.memory_space<hbm>>) dst(%dma_wait3A_29 : memref<640x64xf32, #tpu.memory_space<vmem_shared>>)
      tpu.yield
    }) : () -> ()
    %barrier3A = arith.constant 0 : index
    tpu.barrier barrier_id(%barrier3A)
    %mul3A_3 = arith.constant 20000 : i32
    %mul3A_4 = arith.muli %arg1, %mul3A_3 : i32
    %scan3A = arith.constant 0 : i32
    %scan3A_5 = arith.constant 0 : i32
    %scan3A_6 = arith.constant 25 : i32
    %scan3A_7 = arith.addi %scan3A_5, %scan3A_6 : i32
    %scan3A_8 = arith.constant 1 : i32
    %scan3A_9 = scf.for %scan3A_21 = %scan3A_5 to %scan3A_7 step %scan3A_8 iter_args(%scan3A_22 = %scan3A) -> (i32)  : i32 {
      %gt3A = arith.constant 0 : i32
      %gt3A_23 = arith.cmpi sgt, %scan3A_21, %gt3A : i32
      %convert_element_type3A = arith.extui %gt3A_23 : i1 to i32
      %cond3A = arith.constant 0 : i32
      %cond3A_24 = arith.cmpi ne, %convert_element_type3A, %cond3A : i32
      scf.if %cond3A_24 {
        %dma_wait3A_65 = arith.constant 0 : i32
        %dma_wait3A_66 = arith.constant 0 : i32
        %dma_wait3A_67 = tpu.memref_slice %arg16[%dma_wait3A_65, %dma_wait3A_66] : memref<10240x64xf32, #tpu.memory_space<vmem_shared>> -> memref<10240x64xf32, #tpu.memory_space<vmem_shared>>
        tpu.wait_indirect_dma semaphore(%arg14 : memref<!tpu.dma_semaphore, #tpu.memory_space<semaphore_mem>>) src(%arg10 : memref<400x64xf32, #tpu.memory_space<vmem>>) dst(%dma_wait3A_67 : memref<10240x64xf32, #tpu.memory_space<vmem_shared>>)
        %dma_wait3A_68 = arith.constant 0 : i32
        %dma_wait3A_69 = arith.constant 0 : i32
        %dma_wait3A_70 = tpu.memref_slice %arg16[%dma_wait3A_68, %dma_wait3A_69] : memref<10240x64xf32, #tpu.memory_space<vmem_shared>> -> memref<10240x64xf32, #tpu.memory_space<vmem_shared>>
        tpu.wait_indirect_dma semaphore(%arg15 : memref<!tpu.dma_semaphore, #tpu.memory_space<semaphore_mem>>) src(%arg11 : memref<400x64xf32, #tpu.memory_space<vmem>>) dst(%dma_wait3A_70 : memref<10240x64xf32, #tpu.memory_space<vmem_shared>>)
      } else {
      }
      %mul3A_25 = arith.constant 800 : i32
      %mul3A_26 = arith.muli %scan3A_21, %mul3A_25 : i32
      %add3A = arith.addi %mul3A_4, %mul3A_26 : i32
      "tpu.region"() ({
        %run_scoped3A = tpu.sem_alloc : memref<!tpu.dma_semaphore, #tpu.memory_space<semaphore_mem>>
        %dma_start3A_65 = tpu.memref_slice %arg3[%add3A] : memref<320000xi32, #tpu.memory_space<hbm>> -> memref<400xi32, #tpu.memory_space<hbm>>
        %dma_start3A_66 = tpu.memref_slice %arg3[%add3A] : memref<320000xi32, #tpu.memory_space<hbm>> -> memref<400xi32, #tpu.memory_space<hbm>>
        tpu.enqueue_dma source(%dma_start3A_66 : memref<400xi32, #tpu.memory_space<hbm>>) target(%arg6 : memref<400xi32, #tpu.memory_space<vmem>>) target_semaphore(%run_scoped3A : memref<!tpu.dma_semaphore, #tpu.memory_space<semaphore_mem>>)
        %dma_wait3A_67 = tpu.memref_slice %arg3[%add3A] : memref<320000xi32, #tpu.memory_space<hbm>> -> memref<400xi32, #tpu.memory_space<hbm>>
        %dma_wait3A_68 = tpu.memref_slice %arg3[%add3A] : memref<320000xi32, #tpu.memory_space<hbm>> -> memref<400xi32, #tpu.memory_space<hbm>>
        tpu.wait_dma2 semaphore(%run_scoped3A : memref<!tpu.dma_semaphore, #tpu.memory_space<semaphore_mem>>) src(%dma_wait3A_68 : memref<400xi32, #tpu.memory_space<hbm>>) dst(%arg6 : memref<400xi32, #tpu.memory_space<vmem>>)
        tpu.yield
      }) : () -> ()
      "tpu.region"() ({
        %run_scoped3A = tpu.sem_alloc : memref<!tpu.dma_semaphore, #tpu.memory_space<semaphore_mem>>
        %dma_start3A_65 = tpu.memref_slice %arg4[%add3A] : memref<320000xi32, #tpu.memory_space<hbm>> -> memref<400xi32, #tpu.memory_space<hbm>>
        %dma_start3A_66 = tpu.memref_slice %arg4[%add3A] : memref<320000xi32, #tpu.memory_space<hbm>> -> memref<400xi32, #tpu.memory_space<hbm>>
        tpu.enqueue_dma source(%dma_start3A_66 : memref<400xi32, #tpu.memory_space<hbm>>) target(%arg8 : memref<400xi32, #tpu.memory_space<vmem>>) target_semaphore(%run_scoped3A : memref<!tpu.dma_semaphore, #tpu.memory_space<semaphore_mem>>)
        %dma_wait3A_67 = tpu.memref_slice %arg4[%add3A] : memref<320000xi32, #tpu.memory_space<hbm>> -> memref<400xi32, #tpu.memory_space<hbm>>
        %dma_wait3A_68 = tpu.memref_slice %arg4[%add3A] : memref<320000xi32, #tpu.memory_space<hbm>> -> memref<400xi32, #tpu.memory_space<hbm>>
        tpu.wait_dma2 semaphore(%run_scoped3A : memref<!tpu.dma_semaphore, #tpu.memory_space<semaphore_mem>>) src(%dma_wait3A_68 : memref<400xi32, #tpu.memory_space<hbm>>) dst(%arg8 : memref<400xi32, #tpu.memory_space<vmem>>)
        tpu.yield
      }) : () -> ()
      %dma_start3A = arith.constant 0 : i32
      %dma_start3A_27 = arith.constant 0 : i32
      %dma_start3A_28 = tpu.memref_slice %arg2[%arg0, %dma_start3A, %dma_start3A_27] : memref<2x10240x64xf32, #tpu.memory_space<hbm>> -> memref<1x10240x64xf32, #tpu.memory_space<hbm>>
      %dma_start3A_29 = tpu.memref_squeeze %dma_start3A_28 : memref<1x10240x64xf32, #tpu.memory_space<hbm>> -> memref<10240x64xf32, #tpu.memory_space<hbm>>
      %dma_start3A_30 = arith.constant 0 : i32
      %dma_start3A_31 = arith.constant 0 : i32
      %dma_start3A_32 = tpu.memref_slice %dma_start3A_29[%dma_start3A_30, %dma_start3A_31] : memref<10240x64xf32, #tpu.memory_space<hbm>> -> memref<10240x64xf32, #tpu.memory_space<hbm>>
      tpu.enqueue_indirect_dma source(%dma_start3A_32 : memref<10240x64xf32, #tpu.memory_space<hbm>>) target(%arg10 : memref<400x64xf32, #tpu.memory_space<vmem>>) offsets(%arg6 : memref<400xi32, #tpu.memory_space<vmem>>) semaphore(%arg12 : memref<!tpu.dma_semaphore, #tpu.memory_space<semaphore_mem>>)
      %add3A_33 = arith.constant 400 : i32
      %add3A_34 = arith.addi %add3A, %add3A_33 : i32
      "tpu.region"() ({
        %run_scoped3A = tpu.sem_alloc : memref<!tpu.dma_semaphore, #tpu.memory_space<semaphore_mem>>
        %dma_start3A_65 = tpu.memref_slice %arg3[%add3A_34] : memref<320000xi32, #tpu.memory_space<hbm>> -> memref<400xi32, #tpu.memory_space<hbm>>
        %dma_start3A_66 = tpu.memref_slice %arg3[%add3A_34] : memref<320000xi32, #tpu.memory_space<hbm>> -> memref<400xi32, #tpu.memory_space<hbm>>
        tpu.enqueue_dma source(%dma_start3A_66 : memref<400xi32, #tpu.memory_space<hbm>>) target(%arg7 : memref<400xi32, #tpu.memory_space<vmem>>) target_semaphore(%run_scoped3A : memref<!tpu.dma_semaphore, #tpu.memory_space<semaphore_mem>>)
        %dma_wait3A_67 = tpu.memref_slice %arg3[%add3A_34] : memref<320000xi32, #tpu.memory_space<hbm>> -> memref<400xi32, #tpu.memory_space<hbm>>
        %dma_wait3A_68 = tpu.memref_slice %arg3[%add3A_34] : memref<320000xi32, #tpu.memory_space<hbm>> -> memref<400xi32, #tpu.memory_space<hbm>>
        tpu.wait_dma2 semaphore(%run_scoped3A : memref<!tpu.dma_semaphore, #tpu.memory_space<semaphore_mem>>) src(%dma_wait3A_68 : memref<400xi32, #tpu.memory_space<hbm>>) dst(%arg7 : memref<400xi32, #tpu.memory_space<vmem>>)
        tpu.yield
      }) : () -> ()
      %add3A_35 = arith.constant 400 : i32
      %add3A_36 = arith.addi %add3A, %add3A_35 : i32
      "tpu.region"() ({
        %run_scoped3A = tpu.sem_alloc : memref<!tpu.dma_semaphore, #tpu.memory_space<semaphore_mem>>
        %dma_start3A_65 = tpu.memref_slice %arg4[%add3A_36] : memref<320000xi32, #tpu.memory_space<hbm>> -> memref<400xi32, #tpu.memory_space<hbm>>
        %dma_start3A_66 = tpu.memref_slice %arg4[%add3A_36] : memref<320000xi32, #tpu.memory_space<hbm>> -> memref<400xi32, #tpu.memory_space<hbm>>
        tpu.enqueue_dma source(%dma_start3A_66 : memref<400xi32, #tpu.memory_space<hbm>>) target(%arg9 : memref<400xi32, #tpu.memory_space<vmem>>) target_semaphore(%run_scoped3A : memref<!tpu.dma_semaphore, #tpu.memory_space<semaphore_mem>>)
        %dma_wait3A_67 = tpu.memref_slice %arg4[%add3A_36] : memref<320000xi32, #tpu.memory_space<hbm>> -> memref<400xi32, #tpu.memory_space<hbm>>
        %dma_wait3A_68 = tpu.memref_slice %arg4[%add3A_36] : memref<320000xi32, #tpu.memory_space<hbm>> -> memref<400xi32, #tpu.memory_space<hbm>>
        tpu.wait_dma2 semaphore(%run_scoped3A : memref<!tpu.dma_semaphore, #tpu.memory_space<semaphore_mem>>) src(%dma_wait3A_68 : memref<400xi32, #tpu.memory_space<hbm>>) dst(%arg9 : memref<400xi32, #tpu.memory_space<vmem>>)
        tpu.yield
      }) : () -> ()
      %dma_start3A_37 = arith.constant 0 : i32
      %dma_start3A_38 = arith.constant 0 : i32
      %dma_start3A_39 = tpu.memref_slice %arg2[%arg0, %dma_start3A_37, %dma_start3A_38] : memref<2x10240x64xf32, #tpu.memory_space<hbm>> -> memref<1x10240x64xf32, #tpu.memory_space<hbm>>
      %dma_start3A_40 = tpu.memref_squeeze %dma_start3A_39 : memref<1x10240x64xf32, #tpu.memory_space<hbm>> -> memref<10240x64xf32, #tpu.memory_space<hbm>>
      %dma_start3A_41 = arith.constant 0 : i32
      %dma_start3A_42 = arith.constant 0 : i32
      %dma_start3A_43 = tpu.memref_slice %dma_start3A_40[%dma_start3A_41, %dma_start3A_42] : memref<10240x64xf32, #tpu.memory_space<hbm>> -> memref<10240x64xf32, #tpu.memory_space<hbm>>
      tpu.enqueue_indirect_dma source(%dma_start3A_43 : memref<10240x64xf32, #tpu.memory_space<hbm>>) target(%arg11 : memref<400x64xf32, #tpu.memory_space<vmem>>) offsets(%arg7 : memref<400xi32, #tpu.memory_space<vmem>>) semaphore(%arg13 : memref<!tpu.dma_semaphore, #tpu.memory_space<semaphore_mem>>)
      %dma_wait3A_44 = arith.constant 0 : i32
      %dma_wait3A_45 = arith.constant 0 : i32
      %dma_wait3A_46 = tpu.memref_slice %arg2[%arg0, %dma_wait3A_44, %dma_wait3A_45] : memref<2x10240x64xf32, #tpu.memory_space<hbm>> -> memref<1x10240x64xf32, #tpu.memory_space<hbm>>
      %dma_wait3A_47 = tpu.memref_squeeze %dma_wait3A_46 : memref<1x10240x64xf32, #tpu.memory_space<hbm>> -> memref<10240x64xf32, #tpu.memory_space<hbm>>
      %dma_wait3A_48 = arith.constant 0 : i32
      %dma_wait3A_49 = arith.constant 0 : i32
      %dma_wait3A_50 = tpu.memref_slice %dma_wait3A_47[%dma_wait3A_48, %dma_wait3A_49] : memref<10240x64xf32, #tpu.memory_space<hbm>> -> memref<10240x64xf32, #tpu.memory_space<hbm>>
      tpu.wait_indirect_dma semaphore(%arg12 : memref<!tpu.dma_semaphore, #tpu.memory_space<semaphore_mem>>) src(%dma_wait3A_50 : memref<10240x64xf32, #tpu.memory_space<hbm>>) dst(%arg10 : memref<400x64xf32, #tpu.memory_space<vmem>>)
      %dma_start3A_51 = arith.constant 0 : i32
      %dma_start3A_52 = arith.constant 0 : i32
      %dma_start3A_53 = tpu.memref_slice %arg16[%dma_start3A_51, %dma_start3A_52] : memref<10240x64xf32, #tpu.memory_space<vmem_shared>> -> memref<10240x64xf32, #tpu.memory_space<vmem_shared>>
      tpu.enqueue_indirect_dma source(%arg10 : memref<400x64xf32, #tpu.memory_space<vmem>>) target(%dma_start3A_53 : memref<10240x64xf32, #tpu.memory_space<vmem_shared>>) offsets(%arg8 : memref<400xi32, #tpu.memory_space<vmem>>) semaphore(%arg14 : memref<!tpu.dma_semaphore, #tpu.memory_space<semaphore_mem>>) {add = true}
      %dma_wait3A_54 = arith.constant 0 : i32
      %dma_wait3A_55 = arith.constant 0 : i32
      %dma_wait3A_56 = tpu.memref_slice %arg2[%arg0, %dma_wait3A_54, %dma_wait3A_55] : memref<2x10240x64xf32, #tpu.memory_space<hbm>> -> memref<1x10240x64xf32, #tpu.memory_space<hbm>>
      %dma_wait3A_57 = tpu.memref_squeeze %dma_wait3A_56 : memref<1x10240x64xf32, #tpu.memory_space<hbm>> -> memref<10240x64xf32, #tpu.memory_space<hbm>>
      %dma_wait3A_58 = arith.constant 0 : i32
      %dma_wait3A_59 = arith.constant 0 : i32
      %dma_wait3A_60 = tpu.memref_slice %dma_wait3A_57[%dma_wait3A_58, %dma_wait3A_59] : memref<10240x64xf32, #tpu.memory_space<hbm>> -> memref<10240x64xf32, #tpu.memory_space<hbm>>
      tpu.wait_indirect_dma semaphore(%arg13 : memref<!tpu.dma_semaphore, #tpu.memory_space<semaphore_mem>>) src(%dma_wait3A_60 : memref<10240x64xf32, #tpu.memory_space<hbm>>) dst(%arg11 : memref<400x64xf32, #tpu.memory_space<vmem>>)
      %dma_start3A_61 = arith.constant 0 : i32
      %dma_start3A_62 = arith.constant 0 : i32
      %dma_start3A_63 = tpu.memref_slice %arg16[%dma_start3A_61, %dma_start3A_62] : memref<10240x64xf32, #tpu.memory_space<vmem_shared>> -> memref<10240x64xf32, #tpu.memory_space<vmem_shared>>
      tpu.enqueue_indirect_dma source(%arg11 : memref<400x64xf32, #tpu.memory_space<vmem>>) target(%dma_start3A_63 : memref<10240x64xf32, #tpu.memory_space<vmem_shared>>) offsets(%arg9 : memref<400xi32, #tpu.memory_space<vmem>>) semaphore(%arg15 : memref<!tpu.dma_semaphore, #tpu.memory_space<semaphore_mem>>) {add = true}
      %scan3A_64 = arith.constant 0 : i32
      scf.yield %scan3A_64 : i32
    }
    %scan3A_10 = arith.constant 25 : i32
    %dma_wait3A = arith.constant 0 : i32
    %dma_wait3A_11 = arith.constant 0 : i32
    %dma_wait3A_12 = tpu.memref_slice %arg16[%dma_wait3A, %dma_wait3A_11] : memref<10240x64xf32, #tpu.memory_space<vmem_shared>> -> memref<10240x64xf32, #tpu.memory_space<vmem_shared>>
    tpu.wait_indirect_dma semaphore(%arg14 : memref<!tpu.dma_semaphore, #tpu.memory_space<semaphore_mem>>) src(%arg10 : memref<400x64xf32, #tpu.memory_space<vmem>>) dst(%dma_wait3A_12 : memref<10240x64xf32, #tpu.memory_space<vmem_shared>>)
    %dma_wait3A_13 = arith.constant 0 : i32
    %dma_wait3A_14 = arith.constant 0 : i32
    %dma_wait3A_15 = tpu.memref_slice %arg16[%dma_wait3A_13, %dma_wait3A_14] : memref<10240x64xf32, #tpu.memory_space<vmem_shared>> -> memref<10240x64xf32, #tpu.memory_space<vmem_shared>>
    tpu.wait_indirect_dma semaphore(%arg15 : memref<!tpu.dma_semaphore, #tpu.memory_space<semaphore_mem>>) src(%arg11 : memref<400x64xf32, #tpu.memory_space<vmem>>) dst(%dma_wait3A_15 : memref<10240x64xf32, #tpu.memory_space<vmem_shared>>)
    %barrier3A_16 = arith.constant 0 : index
    tpu.barrier barrier_id(%barrier3A_16)
    %mul3A_17 = arith.constant 640 : i32
    %mul3A_18 = arith.muli %arg1, %mul3A_17 : i32
    %mul3A_19 = arith.constant 640 : i32
    %mul3A_20 = arith.muli %arg1, %mul3A_19 : i32
    "tpu.region"() ({
      %run_scoped3A = tpu.sem_alloc : memref<!tpu.dma_semaphore, #tpu.memory_space<semaphore_mem>>
      %dma_start3A = arith.constant 0 : i32
      %dma_start3A_21 = tpu.memref_slice %arg5[%arg0, %mul3A_20, %dma_start3A] : memref<2x10240x64xf32, #tpu.memory_space<hbm>> -> memref<1x640x64xf32, #tpu.memory_space<hbm>>
      %dma_start3A_22 = tpu.memref_squeeze %dma_start3A_21 : memref<1x640x64xf32, #tpu.memory_space<hbm>> -> memref<640x64xf32, #tpu.memory_space<hbm>>
      %dma_start3A_23 = arith.constant 0 : i32
      %dma_start3A_24 = tpu.memref_slice %arg16[%mul3A_18, %dma_start3A_23] : memref<10240x64xf32, #tpu.memory_space<vmem_shared>> -> memref<640x64xf32, #tpu.memory_space<vmem_shared>>
      tpu.enqueue_dma source(%dma_start3A_24 : memref<640x64xf32, #tpu.memory_space<vmem_shared>>) target(%dma_start3A_22 : memref<640x64xf32, #tpu.memory_space<hbm>>) target_semaphore(%run_scoped3A : memref<!tpu.dma_semaphore, #tpu.memory_space<semaphore_mem>>)
      %dma_wait3A_25 = arith.constant 0 : i32
      %dma_wait3A_26 = tpu.memref_slice %arg5[%arg0, %mul3A_20, %dma_wait3A_25] : memref<2x10240x64xf32, #tpu.memory_space<hbm>> -> memref<1x640x64xf32, #tpu.memory_space<hbm>>
      %dma_wait3A_27 = tpu.memref_squeeze %dma_wait3A_26 : memref<1x640x64xf32, #tpu.memory_space<hbm>> -> memref<640x64xf32, #tpu.memory_space<hbm>>
      %dma_wait3A_28 = arith.constant 0 : i32
      %dma_wait3A_29 = tpu.memref_slice %arg16[%mul3A_18, %dma_wait3A_28] : memref<10240x64xf32, #tpu.memory_space<vmem_shared>> -> memref<640x64xf32, #tpu.memory_space<vmem_shared>>
      tpu.wait_dma2 semaphore(%run_scoped3A : memref<!tpu.dma_semaphore, #tpu.memory_space<semaphore_mem>>) src(%dma_wait3A_29 : memref<640x64xf32, #tpu.memory_space<vmem_shared>>) dst(%dma_wait3A_27 : memref<640x64xf32, #tpu.memory_space<hbm>>)
      tpu.yield
    }) : () -> ()
    return
  }
}

module attributes {stable_mosaic.version = 14 : i64} {
  func.func @_statsvar_body(%arg0: i32, %arg1: i32, %arg2: memref<2000x128xf32, #tpu.memory_space<vmem>>, %arg3: memref<1x128xf32, #tpu.memory_space<vmem>>, %arg4: memref<1x128xf32, #tpu.memory_space<vmem>>) attributes {dimension_semantics = [#tpu.dimension_semantics<arbitrary>, #tpu.dimension_semantics<arbitrary>], iteration_bounds = array<i64: 2, 5>, scalar_prefetch = 0 : i64, scratch_operands = 0 : i64, tpu.core_type = #tpu.core_type<tc>, window_params = [{transform_indices = @transform_0, window_bounds = array<i64: 2000, 128>}, {pipeline_mode = #tpu.pipeline_mode<synchronous>, transform_indices = @transform_1, window_bounds = array<i64: 1, 128>}, {pipeline_mode = #tpu.pipeline_mode<synchronous>, transform_indices = @transform_2, window_bounds = array<i64: 1, 128>}]} {
    %eq3A = arith.constant 0 : i32
    %eq3A_0 = arith.cmpi eq, %arg0, %eq3A : i32
    %eq3A_1 = arith.constant 0 : i32
    %eq3A_2 = arith.cmpi eq, %arg1, %eq3A_1 : i32
    %and3A = arith.andi %eq3A_0, %eq3A_2 : i1
    %convert_element_type3A = arith.extui %and3A : i1 to i32
    %cond3A = arith.constant 0 : i32
    %cond3A_3 = arith.cmpi ne, %convert_element_type3A, %cond3A : i32
    scf.if %cond3A_3 {
      %broadcast_in_dim3A = arith.constant 0.000000e+00 : f32
      %broadcast_in_dim3A_14 = vector.broadcast %broadcast_in_dim3A : f32 to vector<1x128xf32>
      %swap3A = arith.constant 0 : index
      %swap3A_15 = arith.constant 0 : index
      %swap3A_16 = vector.load %arg3[%swap3A, %swap3A_15] : memref<1x128xf32, #tpu.memory_space<vmem>>, vector<1x128xf32>
      tpu.vector_store %arg3[%swap3A, %swap3A_15], %broadcast_in_dim3A_14 {strides = array<i32>} : memref<1x128xf32, #tpu.memory_space<vmem>>, vector<1x128xf32>,
    } else {
    }
    %eq3A_4 = arith.constant 0 : i32
    %eq3A_5 = arith.cmpi eq, %arg0, %eq3A_4 : i32
    %convert_element_type3A_6 = arith.extui %eq3A_5 : i1 to i32
    %cond3A_7 = arith.constant 0 : i32
    %cond3A_8 = arith.cmpi ne, %convert_element_type3A_6, %cond3A_7 : i32
    scf.if %cond3A_8 {
      %get3A = arith.constant 0 : index
      %get3A_14 = arith.constant 0 : index
      %get3A_15 = vector.load %arg3[%get3A, %get3A_14] : memref<1x128xf32, #tpu.memory_space<vmem>>, vector<1x128xf32>
      %get3A_16 = arith.constant 0 : index
      %get3A_17 = arith.constant 0 : index
      %get3A_18 = vector.load %arg2[%get3A_16, %get3A_17] : memref<2000x128xf32, #tpu.memory_space<vmem>>, vector<2000x128xf32>
      %reduce_sum3A = arith.constant dense<0.000000e+00> : vector<128xf32>
      %reduce_sum3A_19 = vector.multi_reduction <add>, %get3A_18, %reduce_sum3A [0] : vector<2000x128xf32> to vector<128xf32>
      %broadcast_in_dim3A = vector.shape_cast %reduce_sum3A_19 : vector<128xf32> to vector<1x128xf32>
      %add3A = arith.addf %get3A_15, %broadcast_in_dim3A : vector<1x128xf32>
      %swap3A = arith.constant 0 : index
      %swap3A_20 = arith.constant 0 : index
      %swap3A_21 = vector.load %arg3[%swap3A, %swap3A_20] : memref<1x128xf32, #tpu.memory_space<vmem>>, vector<1x128xf32>
      tpu.vector_store %arg3[%swap3A, %swap3A_20], %add3A {strides = array<i32>} : memref<1x128xf32, #tpu.memory_space<vmem>>, vector<1x128xf32>,
    } else {
    }
    %eq3A_9 = arith.constant 1 : i32
    %eq3A_10 = arith.cmpi eq, %arg0, %eq3A_9 : i32
    %convert_element_type3A_11 = arith.extui %eq3A_10 : i1 to i32
    %cond3A_12 = arith.constant 0 : i32
    %cond3A_13 = arith.cmpi ne, %convert_element_type3A_11, %cond3A_12 : i32
    scf.if %cond3A_13 {
      %eq3A_14 = arith.constant 0 : i32
      %eq3A_15 = arith.cmpi eq, %arg1, %eq3A_14 : i32
      %convert_element_type3A_16 = arith.extui %eq3A_15 : i1 to i32
      %cond3A_17 = arith.constant 0 : i32
      %cond3A_18 = arith.cmpi ne, %convert_element_type3A_16, %cond3A_17 : i32
      scf.if %cond3A_18 {
        %broadcast_in_dim3A_34 = arith.constant 0.000000e+00 : f32
        %broadcast_in_dim3A_35 = vector.broadcast %broadcast_in_dim3A_34 : f32 to vector<1x128xf32>
        %swap3A_36 = arith.constant 0 : index
        %swap3A_37 = arith.constant 0 : index
        %swap3A_38 = vector.load %arg4[%swap3A_36, %swap3A_37] : memref<1x128xf32, #tpu.memory_space<vmem>>, vector<1x128xf32>
        tpu.vector_store %arg4[%swap3A_36, %swap3A_37], %broadcast_in_dim3A_35 {strides = array<i32>} : memref<1x128xf32, #tpu.memory_space<vmem>>, vector<1x128xf32>,
      } else {
      }
      %get3A = arith.constant 0 : index
      %get3A_19 = arith.constant 0 : index
      %get3A_20 = vector.load %arg2[%get3A, %get3A_19] : memref<2000x128xf32, #tpu.memory_space<vmem>>, vector<2000x128xf32>
      %get3A_21 = arith.constant 0 : index
      %get3A_22 = arith.constant 0 : index
      %get3A_23 = vector.load %arg3[%get3A_21, %get3A_22] : memref<1x128xf32, #tpu.memory_space<vmem>>, vector<1x128xf32>
      %mul3A = arith.constant 9.99999974E-5 : f32
      %mul3A_24 = vector.broadcast %mul3A : f32 to vector<1x128xf32>
      %mul3A_25 = arith.mulf %get3A_23, %mul3A_24 : vector<1x128xf32>
      %sub3A = vector.broadcast %mul3A_25 : vector<1x128xf32> to vector<2000x128xf32>
      %sub3A_26 = arith.subf %get3A_20, %sub3A : vector<2000x128xf32>
      %get3A_27 = arith.constant 0 : index
      %get3A_28 = arith.constant 0 : index
      %get3A_29 = vector.load %arg4[%get3A_27, %get3A_28] : memref<1x128xf32, #tpu.memory_space<vmem>>, vector<1x128xf32>
      %mul3A_30 = arith.mulf %sub3A_26, %sub3A_26 : vector<2000x128xf32>
      %reduce_sum3A = arith.constant dense<0.000000e+00> : vector<128xf32>
      %reduce_sum3A_31 = vector.multi_reduction <add>, %mul3A_30, %reduce_sum3A [0] : vector<2000x128xf32> to vector<128xf32>
      %broadcast_in_dim3A = vector.shape_cast %reduce_sum3A_31 : vector<128xf32> to vector<1x128xf32>
      %add3A = arith.addf %get3A_29, %broadcast_in_dim3A : vector<1x128xf32>
      %swap3A = arith.constant 0 : index
      %swap3A_32 = arith.constant 0 : index
      %swap3A_33 = vector.load %arg4[%swap3A, %swap3A_32] : memref<1x128xf32, #tpu.memory_space<vmem>>, vector<1x128xf32>
      tpu.vector_store %arg4[%swap3A, %swap3A_32], %add3A {strides = array<i32>} : memref<1x128xf32, #tpu.memory_space<vmem>>, vector<1x128xf32>,
    } else {
    }
    return
  }
  func.func @transform_0(%arg0: i32, %arg1: i32) -> (i32, i32) {
    %c0_i32 = arith.constant 0 : i32
    %c0_i32_0 = arith.constant 0 : i32
    return %arg1, %c0_i32 : i32, i32
  }
  func.func @transform_1(%arg0: i32, %arg1: i32) -> (i32, i32) {
    %c0_i32 = arith.constant 0 : i32
    %c0_i32_0 = arith.constant 0 : i32
    %c0_i32_1 = arith.constant 0 : i32
    return %c0_i32, %c0_i32_0 : i32, i32
  }
  func.func @transform_2(%arg0: i32, %arg1: i32) -> (i32, i32) {
    %c0_i32 = arith.constant 0 : i32
    %c0_i32_0 = arith.constant 0 : i32
    %c0_i32_1 = arith.constant 0 : i32
    return %c0_i32, %c0_i32_0 : i32, i32
  }
}

module attributes {stable_mosaic.version = 14 : i64} {
  func.func @_feat_body(%arg0: i32, %arg1: memref<2000x128xf32, #tpu.memory_space<vmem>>, %arg2: memref<1x128xf32, #tpu.memory_space<vmem>>, %arg3: memref<1x128xf32, #tpu.memory_space<vmem>>, %arg4: memref<1x128xf32, #tpu.memory_space<vmem>>, %arg5: memref<1x128xf32, #tpu.memory_space<vmem>>, %arg6: memref<128x128xf32, #tpu.memory_space<vmem>>, %arg7: memref<2000x128xf32, #tpu.memory_space<vmem>>, %arg8: memref<1x128xf32, #tpu.memory_space<vmem>>) attributes {dimension_semantics = [#tpu.dimension_semantics<arbitrary>], iteration_bounds = array<i64: 5>, scalar_prefetch = 0 : i64, scratch_operands = 0 : i64, tpu.core_type = #tpu.core_type<tc>, window_params = [{transform_indices = @transform_0, window_bounds = array<i64: 2000, 128>}, {pipeline_mode = #tpu.pipeline_mode<synchronous>, transform_indices = @transform_1, window_bounds = array<i64: 1, 128>}, {pipeline_mode = #tpu.pipeline_mode<synchronous>, transform_indices = @transform_2, window_bounds = array<i64: 1, 128>}, {pipeline_mode = #tpu.pipeline_mode<synchronous>, transform_indices = @transform_3, window_bounds = array<i64: 1, 128>}, {pipeline_mode = #tpu.pipeline_mode<synchronous>, transform_indices = @transform_4, window_bounds = array<i64: 1, 128>}, {pipeline_mode = #tpu.pipeline_mode<synchronous>, transform_indices = @transform_5, window_bounds = array<i64: 128, 128>}, {transform_indices = @transform_6, window_bounds = array<i64: 2000, 128>}, {pipeline_mode = #tpu.pipeline_mode<synchronous>, transform_indices = @transform_7, window_bounds = array<i64: 1, 128>}]} {
    %get3A = arith.constant 0 : index
    %get3A_0 = arith.constant 0 : index
    %get3A_1 = vector.load %arg2[%get3A, %get3A_0] : memref<1x128xf32, #tpu.memory_space<vmem>>, vector<1x128xf32>
    %get3A_2 = arith.constant 0 : index
    %get3A_3 = arith.constant 0 : index
    %get3A_4 = vector.load %arg3[%get3A_2, %get3A_3] : memref<1x128xf32, #tpu.memory_space<vmem>>, vector<1x128xf32>
    %get3A_5 = arith.constant 0 : index
    %get3A_6 = arith.constant 0 : index
    %get3A_7 = vector.load %arg4[%get3A_5, %get3A_6] : memref<1x128xf32, #tpu.memory_space<vmem>>, vector<1x128xf32>
    %get3A_8 = arith.constant 0 : index
    %get3A_9 = arith.constant 0 : index
    %get3A_10 = vector.load %arg5[%get3A_8, %get3A_9] : memref<1x128xf32, #tpu.memory_space<vmem>>, vector<1x128xf32>
    %mul3A = arith.constant 9.99999974E-5 : f32
    %mul3A_11 = vector.broadcast %mul3A : f32 to vector<1x128xf32>
    %mul3A_12 = arith.mulf %get3A_1, %mul3A_11 : vector<1x128xf32>
    %mul3A_13 = arith.constant 9.99999974E-5 : f32
    %mul3A_14 = vector.broadcast %mul3A_13 : f32 to vector<1x128xf32>
    %mul3A_15 = arith.mulf %get3A_4, %mul3A_14 : vector<1x128xf32>
    %add3A = arith.constant 9.99999974E-6 : f32
    %add3A_16 = vector.broadcast %add3A : f32 to vector<1x128xf32>
    %add3A_17 = arith.addf %mul3A_15, %add3A_16 : vector<1x128xf32>
    %rsqrt3A = math.rsqrt %add3A_17 : vector<1x128xf32>
    %mul3A_18 = arith.mulf %get3A_7, %rsqrt3A : vector<1x128xf32>
    %mul3A_19 = arith.mulf %mul3A_12, %mul3A_18 : vector<1x128xf32>
    %sub3A = arith.subf %get3A_10, %mul3A_19 : vector<1x128xf32>
    %get3A_20 = arith.constant 0 : index
    %get3A_21 = arith.constant 0 : index
    %get3A_22 = vector.load %arg1[%get3A_20, %get3A_21] : memref<2000x128xf32, #tpu.memory_space<vmem>>, vector<2000x128xf32>
    %mul3A_23 = vector.broadcast %mul3A_18 : vector<1x128xf32> to vector<2000x128xf32>
    %mul3A_24 = arith.mulf %get3A_22, %mul3A_23 : vector<2000x128xf32>
    %add3A_25 = vector.broadcast %sub3A : vector<1x128xf32> to vector<2000x128xf32>
    %add3A_26 = arith.addf %mul3A_24, %add3A_25 : vector<2000x128xf32>
    %get3A_27 = arith.constant 0 : index
    %get3A_28 = arith.constant 0 : index
    %get3A_29 = vector.load %arg6[%get3A_27, %get3A_28] : memref<128x128xf32, #tpu.memory_space<vmem>>, vector<128x128xf32>
    %dot_general3A = arith.constant dense<0.000000e+00> : vector<2000x128xf32>
    %dot_general3A_30 = tpu.matmul %add3A_26, %get3A_29, %dot_general3A {dimension_numbers = #tpu.dot_dimension_numbers<[1], [0], [0], [1], [0, 0, 1, 1], [], []>, precision = #tpu.contract_precision<fp32>, transpose_lhs_hint = false} : vector<2000x128xf32>, vector<128x128xf32>, vector<2000x128xf32> -> vector<2000x128xf32>
    %max3A = arith.constant 0.000000e+00 : f32
    %max3A_31 = vector.broadcast %max3A : f32 to vector<2000x128xf32>
    %max3A_32 = arith.maximumf %dot_general3A_30, %max3A_31 : vector<2000x128xf32>
    %swap3A = arith.constant 0 : index
    %swap3A_33 = arith.constant 0 : index
    %swap3A_34 = vector.load %arg7[%swap3A, %swap3A_33] : memref<2000x128xf32, #tpu.memory_space<vmem>>, vector<2000x128xf32>
    tpu.vector_store %arg7[%swap3A, %swap3A_33], %max3A_32 {strides = array<i32>} : memref<2000x128xf32, #tpu.memory_space<vmem>>, vector<2000x128xf32>,
    %eq3A = arith.constant 0 : i32
    %eq3A_35 = arith.cmpi eq, %arg0, %eq3A : i32
    %convert_element_type3A = arith.extui %eq3A_35 : i1 to i32
    %cond3A = arith.constant 0 : i32
    %cond3A_36 = arith.cmpi ne, %convert_element_type3A, %cond3A : i32
    scf.if %cond3A_36 {
      %broadcast_in_dim3A_45 = arith.constant 0.000000e+00 : f32
      %broadcast_in_dim3A_46 = vector.broadcast %broadcast_in_dim3A_45 : f32 to vector<1x128xf32>
      %swap3A_47 = arith.constant 0 : index
      %swap3A_48 = arith.constant 0 : index
      %swap3A_49 = vector.load %arg8[%swap3A_47, %swap3A_48] : memref<1x128xf32, #tpu.memory_space<vmem>>, vector<1x128xf32>
      tpu.vector_store %arg8[%swap3A_47, %swap3A_48], %broadcast_in_dim3A_46 {strides = array<i32>} : memref<1x128xf32, #tpu.memory_space<vmem>>, vector<1x128xf32>,
    } else {
    }
    %get3A_37 = arith.constant 0 : index
    %get3A_38 = arith.constant 0 : index
    %get3A_39 = vector.load %arg8[%get3A_37, %get3A_38] : memref<1x128xf32, #tpu.memory_space<vmem>>, vector<1x128xf32>
    %reduce_sum3A = arith.constant dense<0.000000e+00> : vector<128xf32>
    %reduce_sum3A_40 = vector.multi_reduction <add>, %max3A_32, %reduce_sum3A [0] : vector<2000x128xf32> to vector<128xf32>
    %broadcast_in_dim3A = vector.shape_cast %reduce_sum3A_40 : vector<128xf32> to vector<1x128xf32>
    %add3A_41 = arith.addf %get3A_39, %broadcast_in_dim3A : vector<1x128xf32>
    %swap3A_42 = arith.constant 0 : index
    %swap3A_43 = arith.constant 0 : index
    %swap3A_44 = vector.load %arg8[%swap3A_42, %swap3A_43] : memref<1x128xf32, #tpu.memory_space<vmem>>, vector<1x128xf32>
    tpu.vector_store %arg8[%swap3A_42, %swap3A_43], %add3A_41 {strides = array<i32>} : memref<1x128xf32, #tpu.memory_space<vmem>>, vector<1x128xf32>,
    return
  }
  func.func @transform_0(%arg0: i32) -> (i32, i32) {
    %c0_i32 = arith.constant 0 : i32
    %c0_i32_0 = arith.constant 0 : i32
    return %arg0, %c0_i32 : i32, i32
  }
  func.func @transform_1(%arg0: i32) -> (i32, i32) {
    %c0_i32 = arith.constant 0 : i32
    %c0_i32_0 = arith.constant 0 : i32
    %c0_i32_1 = arith.constant 0 : i32
    return %c0_i32, %c0_i32_0 : i32, i32
  }
  func.func @transform_2(%arg0: i32) -> (i32, i32) {
    %c0_i32 = arith.constant 0 : i32
    %c0_i32_0 = arith.constant 0 : i32
    %c0_i32_1 = arith.constant 0 : i32
    return %c0_i32, %c0_i32_0 : i32, i32
  }
  func.func @transform_3(%arg0: i32) -> (i32, i32) {
    %c0_i32 = arith.constant 0 : i32
    %c0_i32_0 = arith.constant 0 : i32
    %c0_i32_1 = arith.constant 0 : i32
    return %c0_i32, %c0_i32_0 : i32, i32
  }
  func.func @transform_4(%arg0: i32) -> (i32, i32) {
    %c0_i32 = arith.constant 0 : i32
    %c0_i32_0 = arith.constant 0 : i32
    %c0_i32_1 = arith.constant 0 : i32
    return %c0_i32, %c0_i32_0 : i32, i32
  }
  func.func @transform_5(%arg0: i32) -> (i32, i32) {
    %c0_i32 = arith.constant 0 : i32
    %c0_i32_0 = arith.constant 0 : i32
    %c0_i32_1 = arith.constant 0 : i32
    return %c0_i32, %c0_i32_0 : i32, i32
  }
  func.func @transform_6(%arg0: i32) -> (i32, i32) {
    %c0_i32 = arith.constant 0 : i32
    %c0_i32_0 = arith.constant 0 : i32
    return %arg0, %c0_i32 : i32, i32
  }
  func.func @transform_7(%arg0: i32) -> (i32, i32) {
    %c0_i32 = arith.constant 0 : i32
    %c0_i32_0 = arith.constant 0 : i32
    %c0_i32_1 = arith.constant 0 : i32
    return %c0_i32, %c0_i32_0 : i32, i32
  }
}

module attributes {stable_mosaic.version = 14 : i64} {
  func.func @_pre_body(%arg0: i32, %arg1: i32, %arg2: memref<2000x128xf32, #tpu.memory_space<vmem>>, %arg3: memref<1x128xf32, #tpu.memory_space<vmem>>, %arg4: memref<1x128xf32, #tpu.memory_space<vmem>>, %arg5: memref<1x128xf32, #tpu.memory_space<vmem>>, %arg6: memref<128x128xf32, #tpu.memory_space<vmem>>, %arg7: memref<2000x1xf32, #tpu.memory_space<vmem>>, %arg8: memref<2000x1xf32, #tpu.memory_space<vmem>>, %arg9: memref<2x2000x64xf32, #tpu.memory_space<vmem>>, %arg10: memref<1x128xf32, #tpu.memory_space<vmem>>) attributes {dimension_semantics = [#tpu.dimension_semantics<arbitrary>, #tpu.dimension_semantics<arbitrary>], iteration_bounds = array<i64: 2, 5>, scalar_prefetch = 0 : i64, scratch_operands = 0 : i64, tpu.core_type = #tpu.core_type<tc>, window_params = [{transform_indices = @transform_0, window_bounds = array<i64: 2000, 128>}, {pipeline_mode = #tpu.pipeline_mode<synchronous>, transform_indices = @transform_1, window_bounds = array<i64: 1, 128>}, {pipeline_mode = #tpu.pipeline_mode<synchronous>, transform_indices = @transform_2, window_bounds = array<i64: 1, 128>}, {pipeline_mode = #tpu.pipeline_mode<synchronous>, transform_indices = @transform_3, window_bounds = array<i64: 1, 128>}, {pipeline_mode = #tpu.pipeline_mode<synchronous>, transform_indices = @transform_4, window_bounds = array<i64: 128, 128>}, {transform_indices = @transform_5, window_bounds = array<i64: 2000, 1>}, {transform_indices = @transform_6, window_bounds = array<i64: 2000, 1>}, {transform_indices = @transform_7, window_bounds = array<i64: 2, 2000, 64>}, {pipeline_mode = #tpu.pipeline_mode<synchronous>, transform_indices = @transform_8, window_bounds = array<i64: 1, 128>}]} {
    %eq3A = arith.constant 0 : i32
    %eq3A_0 = arith.cmpi eq, %arg0, %eq3A : i32
    %convert_element_type3A = arith.extui %eq3A_0 : i1 to i32
    %cond3A = arith.constant 0 : i32
    %cond3A_1 = arith.cmpi ne, %convert_element_type3A, %cond3A : i32
    scf.if %cond3A_1 {
      %eq3A_7 = arith.constant 0 : i32
      %eq3A_8 = arith.cmpi eq, %arg1, %eq3A_7 : i32
      %convert_element_type3A_9 = arith.extui %eq3A_8 : i1 to i32
      %cond3A_10 = arith.constant 0 : i32
      %cond3A_11 = arith.cmpi ne, %convert_element_type3A_9, %cond3A_10 : i32
      scf.if %cond3A_11 {
        %broadcast_in_dim3A_27 = arith.constant 0.000000e+00 : f32
        %broadcast_in_dim3A_28 = vector.broadcast %broadcast_in_dim3A_27 : f32 to vector<1x128xf32>
        %swap3A_29 = arith.constant 0 : index
        %swap3A_30 = arith.constant 0 : index
        %swap3A_31 = vector.load %arg10[%swap3A_29, %swap3A_30] : memref<1x128xf32, #tpu.memory_space<vmem>>, vector<1x128xf32>
        tpu.vector_store %arg10[%swap3A_29, %swap3A_30], %broadcast_in_dim3A_28 {strides = array<i32>} : memref<1x128xf32, #tpu.memory_space<vmem>>, vector<1x128xf32>,
      } else {
      }
      %get3A = arith.constant 0 : index
      %get3A_12 = arith.constant 0 : index
      %get3A_13 = vector.load %arg2[%get3A, %get3A_12] : memref<2000x128xf32, #tpu.memory_space<vmem>>, vector<2000x128xf32>
      %get3A_14 = arith.constant 0 : index
      %get3A_15 = arith.constant 0 : index
      %get3A_16 = vector.load %arg3[%get3A_14, %get3A_15] : memref<1x128xf32, #tpu.memory_space<vmem>>, vector<1x128xf32>
      %mul3A = arith.constant 9.99999974E-5 : f32
      %mul3A_17 = vector.broadcast %mul3A : f32 to vector<1x128xf32>
      %mul3A_18 = arith.mulf %get3A_16, %mul3A_17 : vector<1x128xf32>
      %sub3A = vector.broadcast %mul3A_18 : vector<1x128xf32> to vector<2000x128xf32>
      %sub3A_19 = arith.subf %get3A_13, %sub3A : vector<2000x128xf32>
      %get3A_20 = arith.constant 0 : index
      %get3A_21 = arith.constant 0 : index
      %get3A_22 = vector.load %arg10[%get3A_20, %get3A_21] : memref<1x128xf32, #tpu.memory_space<vmem>>, vector<1x128xf32>
      %mul3A_23 = arith.mulf %sub3A_19, %sub3A_19 : vector<2000x128xf32>
      %reduce_sum3A = arith.constant dense<0.000000e+00> : vector<128xf32>
      %reduce_sum3A_24 = vector.multi_reduction <add>, %mul3A_23, %reduce_sum3A [0] : vector<2000x128xf32> to vector<128xf32>
      %broadcast_in_dim3A = vector.shape_cast %reduce_sum3A_24 : vector<128xf32> to vector<1x128xf32>
      %add3A = arith.addf %get3A_22, %broadcast_in_dim3A : vector<1x128xf32>
      %swap3A = arith.constant 0 : index
      %swap3A_25 = arith.constant 0 : index
      %swap3A_26 = vector.load %arg10[%swap3A, %swap3A_25] : memref<1x128xf32, #tpu.memory_space<vmem>>, vector<1x128xf32>
      tpu.vector_store %arg10[%swap3A, %swap3A_25], %add3A {strides = array<i32>} : memref<1x128xf32, #tpu.memory_space<vmem>>, vector<1x128xf32>,
    } else {
    }
    %eq3A_2 = arith.constant 1 : i32
    %eq3A_3 = arith.cmpi eq, %arg0, %eq3A_2 : i32
    %convert_element_type3A_4 = arith.extui %eq3A_3 : i1 to i32
    %cond3A_5 = arith.constant 0 : i32
    %cond3A_6 = arith.cmpi ne, %convert_element_type3A_4, %cond3A_5 : i32
    scf.if %cond3A_6 {
      %get3A = arith.constant 0 : index
      %get3A_7 = arith.constant 0 : index
      %get3A_8 = vector.load %arg3[%get3A, %get3A_7] : memref<1x128xf32, #tpu.memory_space<vmem>>, vector<1x128xf32>
      %get3A_9 = arith.constant 0 : index
      %get3A_10 = arith.constant 0 : index
      %get3A_11 = vector.load %arg10[%get3A_9, %get3A_10] : memref<1x128xf32, #tpu.memory_space<vmem>>, vector<1x128xf32>
      %get3A_12 = arith.constant 0 : index
      %get3A_13 = arith.constant 0 : index
      %get3A_14 = vector.load %arg4[%get3A_12, %get3A_13] : memref<1x128xf32, #tpu.memory_space<vmem>>, vector<1x128xf32>
      %get3A_15 = arith.constant 0 : index
      %get3A_16 = arith.constant 0 : index
      %get3A_17 = vector.load %arg5[%get3A_15, %get3A_16] : memref<1x128xf32, #tpu.memory_space<vmem>>, vector<1x128xf32>
      %mul3A = arith.constant 9.99999974E-5 : f32
      %mul3A_18 = vector.broadcast %mul3A : f32 to vector<1x128xf32>
      %mul3A_19 = arith.mulf %get3A_8, %mul3A_18 : vector<1x128xf32>
      %mul3A_20 = arith.constant 9.99999974E-5 : f32
      %mul3A_21 = vector.broadcast %mul3A_20 : f32 to vector<1x128xf32>
      %mul3A_22 = arith.mulf %get3A_11, %mul3A_21 : vector<1x128xf32>
      %add3A = arith.constant 9.99999974E-6 : f32
      %add3A_23 = vector.broadcast %add3A : f32 to vector<1x128xf32>
      %add3A_24 = arith.addf %mul3A_22, %add3A_23 : vector<1x128xf32>
      %rsqrt3A = math.rsqrt %add3A_24 : vector<1x128xf32>
      %mul3A_25 = arith.mulf %get3A_14, %rsqrt3A : vector<1x128xf32>
      %mul3A_26 = arith.mulf %mul3A_19, %mul3A_25 : vector<1x128xf32>
      %sub3A = arith.subf %get3A_17, %mul3A_26 : vector<1x128xf32>
      %get3A_27 = arith.constant 0 : index
      %get3A_28 = arith.constant 0 : index
      %get3A_29 = vector.load %arg2[%get3A_27, %get3A_28] : memref<2000x128xf32, #tpu.memory_space<vmem>>, vector<2000x128xf32>
      %mul3A_30 = vector.broadcast %mul3A_25 : vector<1x128xf32> to vector<2000x128xf32>
      %mul3A_31 = arith.mulf %get3A_29, %mul3A_30 : vector<2000x128xf32>
      %add3A_32 = vector.broadcast %sub3A : vector<1x128xf32> to vector<2000x128xf32>
      %add3A_33 = arith.addf %mul3A_31, %add3A_32 : vector<2000x128xf32>
      %get3A_34 = arith.constant 0 : index
      %get3A_35 = arith.constant 0 : index
      %get3A_36 = vector.load %arg6[%get3A_34, %get3A_35] : memref<128x128xf32, #tpu.memory_space<vmem>>, vector<128x128xf32>
      %dot_general3A = arith.constant dense<0.000000e+00> : vector<2000x128xf32>
      %dot_general3A_37 = tpu.matmul %add3A_33, %get3A_36, %dot_general3A {dimension_numbers = #tpu.dot_dimension_numbers<[1], [0], [0], [1], [0, 0, 1, 1], [], []>, precision = #tpu.contract_precision<fp32>, transpose_lhs_hint = false} : vector<2000x128xf32>, vector<128x128xf32>, vector<2000x128xf32> -> vector<2000x128xf32>
      %get3A_38 = arith.constant 0 : index
      %get3A_39 = arith.constant 0 : index
      %get3A_40 = vector.load %arg7[%get3A_38, %get3A_39] : memref<2000x1xf32, #tpu.memory_space<vmem>>, vector<2000x1xf32>
      %get3A_41 = arith.constant 0 : index
      %get3A_42 = arith.constant 0 : index
      %get3A_43 = vector.load %arg8[%get3A_41, %get3A_42] : memref<2000x1xf32, #tpu.memory_space<vmem>>, vector<2000x1xf32>
      %add3A_44 = arith.addf %get3A_40, %get3A_43 : vector<2000x1xf32>
      %add3A_45 = arith.constant 1.000000e+00 : f32
      %add3A_46 = vector.broadcast %add3A_45 : f32 to vector<2000x1xf32>
      %add3A_47 = arith.addf %add3A_44, %add3A_46 : vector<2000x1xf32>
      %rsqrt3A_48 = math.rsqrt %add3A_47 : vector<2000x1xf32>
      %mul3A_49 = vector.broadcast %rsqrt3A_48 : vector<2000x1xf32> to vector<2000x128xf32>
      %mul3A_50 = arith.mulf %dot_general3A_37, %mul3A_49 : vector<2000x128xf32>
      %slice3A = vector.extract_strided_slice %mul3A_50 {offsets = [0, 0], sizes = [2000, 64], strides = [1, 1]} : vector<2000x128xf32> to vector<2000x64xf32>
      %swap3A = arith.constant 0 : index
      %swap3A_51 = arith.constant 0 : index
      %swap3A_52 = arith.constant 0 : index
      %swap3A_53 = vector.load %arg9[%swap3A, %swap3A_51, %swap3A_52] : memref<2x2000x64xf32, #tpu.memory_space<vmem>>, vector<1x2000x64xf32>
      %swap3A_54 = vector.shape_cast %swap3A_53 : vector<1x2000x64xf32> to vector<2000x64xf32>
      %swap3A_55 = vector.shape_cast %slice3A : vector<2000x64xf32> to vector<1x2000x64xf32>
      tpu.vector_store %arg9[%swap3A, %swap3A_51, %swap3A_52], %swap3A_55 {strides = array<i32>} : memref<2x2000x64xf32, #tpu.memory_space<vmem>>, vector<1x2000x64xf32>,
      %slice3A_56 = vector.extract_strided_slice %mul3A_50 {offsets = [0, 64], sizes = [2000, 64], strides = [1, 1]} : vector<2000x128xf32> to vector<2000x64xf32>
      %swap3A_57 = arith.constant 1 : index
      %swap3A_58 = arith.constant 0 : index
      %swap3A_59 = arith.constant 0 : index
      %swap3A_60 = vector.load %arg9[%swap3A_57, %swap3A_58, %swap3A_59] : memref<2x2000x64xf32, #tpu.memory_space<vmem>>, vector<1x2000x64xf32>
      %swap3A_61 = vector.shape_cast %swap3A_60 : vector<1x2000x64xf32> to vector<2000x64xf32>
      %swap3A_62 = vector.shape_cast %slice3A_56 : vector<2000x64xf32> to vector<1x2000x64xf32>
      tpu.vector_store %arg9[%swap3A_57, %swap3A_58, %swap3A_59], %swap3A_62 {strides = array<i32>} : memref<2x2000x64xf32, #tpu.memory_space<vmem>>, vector<1x2000x64xf32>,
    } else {
    }
    return
  }
  func.func @transform_0(%arg0: i32, %arg1: i32) -> (i32, i32) {
    %c0_i32 = arith.constant 0 : i32
    %c0_i32_0 = arith.constant 0 : i32
    return %arg1, %c0_i32 : i32, i32
  }
  func.func @transform_1(%arg0: i32, %arg1: i32) -> (i32, i32) {
    %c0_i32 = arith.constant 0 : i32
    %c0_i32_0 = arith.constant 0 : i32
    %c0_i32_1 = arith.constant 0 : i32
    return %c0_i32, %c0_i32_0 : i32, i32
  }
  func.func @transform_2(%arg0: i32, %arg1: i32) -> (i32, i32) {
    %c0_i32 = arith.constant 0 : i32
    %c0_i32_0 = arith.constant 0 : i32
    %c0_i32_1 = arith.constant 0 : i32
    return %c0_i32, %c0_i32_0 : i32, i32
  }
  func.func @transform_3(%arg0: i32, %arg1: i32) -> (i32, i32) {
    %c0_i32 = arith.constant 0 : i32
    %c0_i32_0 = arith.constant 0 : i32
    %c0_i32_1 = arith.constant 0 : i32
    return %c0_i32, %c0_i32_0 : i32, i32
  }
  func.func @transform_4(%arg0: i32, %arg1: i32) -> (i32, i32) {
    %c0_i32 = arith.constant 0 : i32
    %c0_i32_0 = arith.constant 0 : i32
    %c0_i32_1 = arith.constant 0 : i32
    return %c0_i32, %c0_i32_0 : i32, i32
  }
  func.func @transform_5(%arg0: i32, %arg1: i32) -> (i32, i32) {
    %c0_i32 = arith.constant 0 : i32
    %c0_i32_0 = arith.constant 0 : i32
    return %arg1, %c0_i32 : i32, i32
  }
  func.func @transform_6(%arg0: i32, %arg1: i32) -> (i32, i32) {
    %c0_i32 = arith.constant 0 : i32
    %c0_i32_0 = arith.constant 0 : i32
    return %arg1, %c0_i32 : i32, i32
  }
  func.func @transform_7(%arg0: i32, %arg1: i32) -> (i32, i32, i32) {
    %c0_i32 = arith.constant 0 : i32
    %c0_i32_0 = arith.constant 0 : i32
    %c0_i32_1 = arith.constant 0 : i32
    return %c0_i32, %arg1, %c0_i32_0 : i32, i32, i32
  }
  func.func @transform_8(%arg0: i32, %arg1: i32) -> (i32, i32) {
    %c0_i32 = arith.constant 0 : i32
    %c0_i32_0 = arith.constant 0 : i32
    %c0_i32_1 = arith.constant 0 : i32
    return %c0_i32, %c0_i32_0 : i32, i32
  }
}

module attributes {stable_mosaic.version = 14 : i64} {
  func.func @_post_body(%arg0: i32, %arg1: memref<2x2000x64xf32, #tpu.memory_space<vmem>>, %arg2: memref<2000x1xf32, #tpu.memory_space<vmem>>, %arg3: memref<2000x1xf32, #tpu.memory_space<vmem>>, %arg4: memref<1x128xf32, #tpu.memory_space<vmem>>, %arg5: memref<2000x128xf32, #tpu.memory_space<vmem>>, %arg6: memref<1x128xf32, #tpu.memory_space<vmem>>) attributes {dimension_semantics = [#tpu.dimension_semantics<arbitrary>], iteration_bounds = array<i64: 5>, scalar_prefetch = 0 : i64, scratch_operands = 0 : i64, tpu.core_type = #tpu.core_type<tc>, window_params = [{transform_indices = @transform_0, window_bounds = array<i64: 2, 2000, 64>}, {transform_indices = @transform_1, window_bounds = array<i64: 2000, 1>}, {transform_indices = @transform_2, window_bounds = array<i64: 2000, 1>}, {pipeline_mode = #tpu.pipeline_mode<synchronous>, transform_indices = @transform_3, window_bounds = array<i64: 1, 128>}, {transform_indices = @transform_4, window_bounds = array<i64: 2000, 128>}, {pipeline_mode = #tpu.pipeline_mode<synchronous>, transform_indices = @transform_5, window_bounds = array<i64: 1, 128>}]} {
    %get3A = arith.constant 0 : index
    %get3A_0 = arith.constant 0 : index
    %get3A_1 = vector.load %arg2[%get3A, %get3A_0] : memref<2000x1xf32, #tpu.memory_space<vmem>>, vector<2000x1xf32>
    %get3A_2 = arith.constant 0 : index
    %get3A_3 = arith.constant 0 : index
    %get3A_4 = vector.load %arg3[%get3A_2, %get3A_3] : memref<2000x1xf32, #tpu.memory_space<vmem>>, vector<2000x1xf32>
    %add3A = arith.addf %get3A_1, %get3A_4 : vector<2000x1xf32>
    %add3A_5 = arith.constant 1.000000e+00 : f32
    %add3A_6 = vector.broadcast %add3A_5 : f32 to vector<2000x1xf32>
    %add3A_7 = arith.addf %add3A, %add3A_6 : vector<2000x1xf32>
    %rsqrt3A = math.rsqrt %add3A_7 : vector<2000x1xf32>
    %get3A_8 = arith.constant 0 : index
    %get3A_9 = arith.constant 0 : index
    %get3A_10 = arith.constant 0 : index
    %get3A_11 = vector.load %arg1[%get3A_8, %get3A_9, %get3A_10] : memref<2x2000x64xf32, #tpu.memory_space<vmem>>, vector<1x2000x64xf32>
    %get3A_12 = vector.shape_cast %get3A_11 : vector<1x2000x64xf32> to vector<2000x64xf32>
    %get3A_13 = arith.constant 1 : index
    %get3A_14 = arith.constant 0 : index
    %get3A_15 = arith.constant 0 : index
    %get3A_16 = vector.load %arg1[%get3A_13, %get3A_14, %get3A_15] : memref<2x2000x64xf32, #tpu.memory_space<vmem>>, vector<1x2000x64xf32>
    %get3A_17 = vector.shape_cast %get3A_16 : vector<1x2000x64xf32> to vector<2000x64xf32>
    %concatenate3A = tpu.concatenate %get3A_12, %get3A_17 in 1 : vector<2000x64xf32>, vector<2000x64xf32> -> vector<2000x128xf32>
    %mul3A = vector.broadcast %rsqrt3A : vector<2000x1xf32> to vector<2000x128xf32>
    %mul3A_18 = arith.mulf %concatenate3A, %mul3A : vector<2000x128xf32>
    %get3A_19 = arith.constant 0 : index
    %get3A_20 = arith.constant 0 : index
    %get3A_21 = vector.load %arg4[%get3A_19, %get3A_20] : memref<1x128xf32, #tpu.memory_space<vmem>>, vector<1x128xf32>
    %add3A_22 = vector.broadcast %get3A_21 : vector<1x128xf32> to vector<2000x128xf32>
    %add3A_23 = arith.addf %mul3A_18, %add3A_22 : vector<2000x128xf32>
    %max3A = arith.constant 0.000000e+00 : f32
    %max3A_24 = vector.broadcast %max3A : f32 to vector<2000x128xf32>
    %max3A_25 = arith.maximumf %add3A_23, %max3A_24 : vector<2000x128xf32>
    %swap3A = arith.constant 0 : index
    %swap3A_26 = arith.constant 0 : index
    %swap3A_27 = vector.load %arg5[%swap3A, %swap3A_26] : memref<2000x128xf32, #tpu.memory_space<vmem>>, vector<2000x128xf32>
    tpu.vector_store %arg5[%swap3A, %swap3A_26], %max3A_25 {strides = array<i32>} : memref<2000x128xf32, #tpu.memory_space<vmem>>, vector<2000x128xf32>,
    %eq3A = arith.constant 0 : i32
    %eq3A_28 = arith.cmpi eq, %arg0, %eq3A : i32
    %convert_element_type3A = arith.extui %eq3A_28 : i1 to i32
    %cond3A = arith.constant 0 : i32
    %cond3A_29 = arith.cmpi ne, %convert_element_type3A, %cond3A : i32
    scf.if %cond3A_29 {
      %broadcast_in_dim3A_38 = arith.constant 0.000000e+00 : f32
      %broadcast_in_dim3A_39 = vector.broadcast %broadcast_in_dim3A_38 : f32 to vector<1x128xf32>
      %swap3A_40 = arith.constant 0 : index
      %swap3A_41 = arith.constant 0 : index
      %swap3A_42 = vector.load %arg6[%swap3A_40, %swap3A_41] : memref<1x128xf32, #tpu.memory_space<vmem>>, vector<1x128xf32>
      tpu.vector_store %arg6[%swap3A_40, %swap3A_41], %broadcast_in_dim3A_39 {strides = array<i32>} : memref<1x128xf32, #tpu.memory_space<vmem>>, vector<1x128xf32>,
    } else {
    }
    %get3A_30 = arith.constant 0 : index
    %get3A_31 = arith.constant 0 : index
    %get3A_32 = vector.load %arg6[%get3A_30, %get3A_31] : memref<1x128xf32, #tpu.memory_space<vmem>>, vector<1x128xf32>
    %reduce_sum3A = arith.constant dense<0.000000e+00> : vector<128xf32>
    %reduce_sum3A_33 = vector.multi_reduction <add>, %max3A_25, %reduce_sum3A [0] : vector<2000x128xf32> to vector<128xf32>
    %broadcast_in_dim3A = vector.shape_cast %reduce_sum3A_33 : vector<128xf32> to vector<1x128xf32>
    %add3A_34 = arith.addf %get3A_32, %broadcast_in_dim3A : vector<1x128xf32>
    %swap3A_35 = arith.constant 0 : index
    %swap3A_36 = arith.constant 0 : index
    %swap3A_37 = vector.load %arg6[%swap3A_35, %swap3A_36] : memref<1x128xf32, #tpu.memory_space<vmem>>, vector<1x128xf32>
    tpu.vector_store %arg6[%swap3A_35, %swap3A_36], %add3A_34 {strides = array<i32>} : memref<1x128xf32, #tpu.memory_space<vmem>>, vector<1x128xf32>,
    return
  }
  func.func @transform_0(%arg0: i32) -> (i32, i32, i32) {
    %c0_i32 = arith.constant 0 : i32
    %c0_i32_0 = arith.constant 0 : i32
    %c0_i32_1 = arith.constant 0 : i32
    return %c0_i32, %arg0, %c0_i32_0 : i32, i32, i32
  }
  func.func @transform_1(%arg0: i32) -> (i32, i32) {
    %c0_i32 = arith.constant 0 : i32
    %c0_i32_0 = arith.constant 0 : i32
    return %arg0, %c0_i32 : i32, i32
  }
  func.func @transform_2(%arg0: i32) -> (i32, i32) {
    %c0_i32 = arith.constant 0 : i32
    %c0_i32_0 = arith.constant 0 : i32
    return %arg0, %c0_i32 : i32, i32
  }
  func.func @transform_3(%arg0: i32) -> (i32, i32) {
    %c0_i32 = arith.constant 0 : i32
    %c0_i32_0 = arith.constant 0 : i32
    %c0_i32_1 = arith.constant 0 : i32
    return %c0_i32, %c0_i32_0 : i32, i32
  }
  func.func @transform_4(%arg0: i32) -> (i32, i32) {
    %c0_i32 = arith.constant 0 : i32
    %c0_i32_0 = arith.constant 0 : i32
    return %arg0, %c0_i32 : i32, i32
  }
  func.func @transform_5(%arg0: i32) -> (i32, i32) {
    %c0_i32 = arith.constant 0 : i32
    %c0_i32_0 = arith.constant 0 : i32
    %c0_i32_1 = arith.constant 0 : i32
    return %c0_i32, %c0_i32_0 : i32, i32
  }
}

module attributes {stable_mosaic.version = 14 : i64} {
  func.func @_pool_body(%arg0: i32, %arg1: memref<2000x128xf32, #tpu.memory_space<vmem>>, %arg2: memref<1x1x2000xi32, #tpu.memory_space<vmem>>, %arg3: memref<64x128xf32, #tpu.memory_space<vmem>>) attributes {dimension_semantics = [#tpu.dimension_semantics<arbitrary>], iteration_bounds = array<i64: 5>, scalar_prefetch = 0 : i64, scratch_operands = 0 : i64, tpu.core_type = #tpu.core_type<tc>, window_params = [{transform_indices = @transform_0, window_bounds = array<i64: 2000, 128>}, {transform_indices = @transform_1, window_bounds = array<i64: 1, 1, 2000>}, {pipeline_mode = #tpu.pipeline_mode<synchronous>, transform_indices = @transform_2, window_bounds = array<i64: 64, 128>}]} {
    %get3A = arith.constant 0 : index
    %get3A_0 = arith.constant 0 : index
    %get3A_1 = arith.constant 0 : index
    %get3A_2 = vector.load %arg2[%get3A, %get3A_0, %get3A_1] : memref<1x1x2000xi32, #tpu.memory_space<vmem>>, vector<1x1x2000xi32>
    %get3A_3 = vector.shape_cast %get3A_2 : vector<1x1x2000xi32> to vector<1x2000xi32>
    %iota3A = tpu.iota {dimensions = array<i32: 0>} : vector<64x2000xi32>
    %eq3A = vector.broadcast %get3A_3 : vector<1x2000xi32> to vector<64x2000xi32>
    %eq3A_4 = arith.cmpi eq, %eq3A, %iota3A : vector<64x2000xi32>
    %jit3A = arith.constant 1.000000e+00 : f32
    %jit3A_5 = arith.constant 0.000000e+00 : f32
    %broadcast_in_dim3A = vector.broadcast %jit3A : f32 to vector<64x2000xf32>
    %broadcast_in_dim3A_6 = vector.broadcast %jit3A_5 : f32 to vector<64x2000xf32>
    %select_n3A = arith.select %eq3A_4, %broadcast_in_dim3A, %broadcast_in_dim3A_6 : vector<64x2000xi1>, vector<64x2000xf32>
    %eq3A_7 = arith.constant 0 : i32
    %eq3A_8 = arith.cmpi eq, %arg0, %eq3A_7 : i32
    %convert_element_type3A = arith.extui %eq3A_8 : i1 to i32
    %cond3A = arith.constant 0 : i32
    %cond3A_9 = arith.cmpi ne, %convert_element_type3A, %cond3A : i32
    scf.if %cond3A_9 {
      %broadcast_in_dim3A_19 = arith.constant 0.000000e+00 : f32
      %broadcast_in_dim3A_20 = vector.broadcast %broadcast_in_dim3A_19 : f32 to vector<64x128xf32>
      %swap3A_21 = arith.constant 0 : index
      %swap3A_22 = arith.constant 0 : index
      %swap3A_23 = vector.load %arg3[%swap3A_21, %swap3A_22] : memref<64x128xf32, #tpu.memory_space<vmem>>, vector<64x128xf32>
      tpu.vector_store %arg3[%swap3A_21, %swap3A_22], %broadcast_in_dim3A_20 {strides = array<i32>} : memref<64x128xf32, #tpu.memory_space<vmem>>, vector<64x128xf32>,
    } else {
    }
    %get3A_10 = arith.constant 0 : index
    %get3A_11 = arith.constant 0 : index
    %get3A_12 = vector.load %arg3[%get3A_10, %get3A_11] : memref<64x128xf32, #tpu.memory_space<vmem>>, vector<64x128xf32>
    %get3A_13 = arith.constant 0 : index
    %get3A_14 = arith.constant 0 : index
    %get3A_15 = vector.load %arg1[%get3A_13, %get3A_14] : memref<2000x128xf32, #tpu.memory_space<vmem>>, vector<2000x128xf32>
    %dot_general3A = arith.constant dense<0.000000e+00> : vector<64x128xf32>
    %dot_general3A_16 = tpu.matmul %select_n3A, %get3A_15, %dot_general3A {dimension_numbers = #tpu.dot_dimension_numbers<[1], [0], [0], [1], [0, 0, 1, 1], [], []>, precision = #tpu.contract_precision<fp32>, transpose_lhs_hint = false} : vector<64x2000xf32>, vector<2000x128xf32>, vector<64x128xf32> -> vector<64x128xf32>
    %add3A = arith.addf %get3A_12, %dot_general3A_16 : vector<64x128xf32>
    %swap3A = arith.constant 0 : index
    %swap3A_17 = arith.constant 0 : index
    %swap3A_18 = vector.load %arg3[%swap3A, %swap3A_17] : memref<64x128xf32, #tpu.memory_space<vmem>>, vector<64x128xf32>
    tpu.vector_store %arg3[%swap3A, %swap3A_17], %add3A {strides = array<i32>} : memref<64x128xf32, #tpu.memory_space<vmem>>, vector<64x128xf32>,
    return
  }
  func.func @transform_0(%arg0: i32) -> (i32, i32) {
    %c0_i32 = arith.constant 0 : i32
    %c0_i32_0 = arith.constant 0 : i32
    return %arg0, %c0_i32 : i32, i32
  }
  func.func @transform_1(%arg0: i32) -> (i32, i32, i32) {
    %c0_i32 = arith.constant 0 : i32
    %c0_i32_0 = arith.constant 0 : i32
    %c0_i32_1 = arith.constant 0 : i32
    return %arg0, %c0_i32, %c0_i32_0 : i32, i32, i32
  }
  func.func @transform_2(%arg0: i32) -> (i32, i32) {
    %c0_i32 = arith.constant 0 : i32
    %c0_i32_0 = arith.constant 0 : i32
    %c0_i32_1 = arith.constant 0 : i32
    return %c0_i32, %c0_i32_0 : i32, i32
  }
}

module attributes {stable_mosaic.version = 14 : i64} {
  func.func @_head_body(%arg0: memref<64x128xf32, #tpu.memory_space<vmem>>, %arg1: memref<1x128xf32, #tpu.memory_space<vmem>>, %arg2: memref<1x128xf32, #tpu.memory_space<vmem>>, %arg3: memref<128x128xf32, #tpu.memory_space<vmem>>, %arg4: memref<1x128xf32, #tpu.memory_space<vmem>>, %arg5: memref<1x128xf32, #tpu.memory_space<vmem>>, %arg6: memref<1x128xf32, #tpu.memory_space<vmem>>, %arg7: memref<128x10xf32, #tpu.memory_space<vmem>>, %arg8: memref<1x10xf32, #tpu.memory_space<vmem>>, %arg9: memref<64x10xf32, #tpu.memory_space<vmem>>) attributes {dimension_semantics = [], scalar_prefetch = 0 : i64, scratch_operands = 0 : i64, tpu.core_type = #tpu.core_type<tc>} {
    %get3A = arith.constant 0 : index
    %get3A_0 = arith.constant 0 : index
    %get3A_1 = vector.load %arg0[%get3A, %get3A_0] : memref<64x128xf32, #tpu.memory_space<vmem>>, vector<64x128xf32>
    %reduce_sum3A = arith.constant dense<0.000000e+00> : vector<128xf32>
    %reduce_sum3A_2 = vector.multi_reduction <add>, %get3A_1, %reduce_sum3A [0] : vector<64x128xf32> to vector<128xf32>
    %broadcast_in_dim3A = vector.shape_cast %reduce_sum3A_2 : vector<128xf32> to vector<1x128xf32>
    %div3A = arith.constant 6.400000e+01 : f32
    %div3A_3 = vector.broadcast %div3A : f32 to vector<1x128xf32>
    %div3A_4 = arith.divf %broadcast_in_dim3A, %div3A_3 : vector<1x128xf32>
    %sub3A = vector.broadcast %div3A_4 : vector<1x128xf32> to vector<64x128xf32>
    %sub3A_5 = arith.subf %get3A_1, %sub3A : vector<64x128xf32>
    %sub3A_6 = vector.broadcast %div3A_4 : vector<1x128xf32> to vector<64x128xf32>
    %sub3A_7 = arith.subf %get3A_1, %sub3A_6 : vector<64x128xf32>
    %mul3A = arith.mulf %sub3A_5, %sub3A_7 : vector<64x128xf32>
    %reduce_sum3A_8 = arith.constant dense<0.000000e+00> : vector<128xf32>
    %reduce_sum3A_9 = vector.multi_reduction <add>, %mul3A, %reduce_sum3A_8 [0] : vector<64x128xf32> to vector<128xf32>
    %broadcast_in_dim3A_10 = vector.shape_cast %reduce_sum3A_9 : vector<128xf32> to vector<1x128xf32>
    %div3A_11 = arith.constant 6.400000e+01 : f32
    %div3A_12 = vector.broadcast %div3A_11 : f32 to vector<1x128xf32>
    %div3A_13 = arith.divf %broadcast_in_dim3A_10, %div3A_12 : vector<1x128xf32>
    %get3A_14 = arith.constant 0 : index
    %get3A_15 = arith.constant 0 : index
    %get3A_16 = vector.load %arg1[%get3A_14, %get3A_15] : memref<1x128xf32, #tpu.memory_space<vmem>>, vector<1x128xf32>
    %sub3A_17 = vector.broadcast %div3A_4 : vector<1x128xf32> to vector<64x128xf32>
    %sub3A_18 = arith.subf %get3A_1, %sub3A_17 : vector<64x128xf32>
    %mul3A_19 = vector.broadcast %get3A_16 : vector<1x128xf32> to vector<64x128xf32>
    %mul3A_20 = arith.mulf %mul3A_19, %sub3A_18 : vector<64x128xf32>
    %add3A = arith.constant 9.99999974E-6 : f32
    %add3A_21 = vector.broadcast %add3A : f32 to vector<1x128xf32>
    %add3A_22 = arith.addf %div3A_13, %add3A_21 : vector<1x128xf32>
    %rsqrt3A = math.rsqrt %add3A_22 : vector<1x128xf32>
    %mul3A_23 = vector.broadcast %rsqrt3A : vector<1x128xf32> to vector<64x128xf32>
    %mul3A_24 = arith.mulf %mul3A_20, %mul3A_23 : vector<64x128xf32>
    %get3A_25 = arith.constant 0 : index
    %get3A_26 = arith.constant 0 : index
    %get3A_27 = vector.load %arg2[%get3A_25, %get3A_26] : memref<1x128xf32, #tpu.memory_space<vmem>>, vector<1x128xf32>
    %add3A_28 = vector.broadcast %get3A_27 : vector<1x128xf32> to vector<64x128xf32>
    %add3A_29 = arith.addf %mul3A_24, %add3A_28 : vector<64x128xf32>
    %get3A_30 = arith.constant 0 : index
    %get3A_31 = arith.constant 0 : index
    %get3A_32 = vector.load %arg3[%get3A_30, %get3A_31] : memref<128x128xf32, #tpu.memory_space<vmem>>, vector<128x128xf32>
    %dot_general3A = arith.constant dense<0.000000e+00> : vector<64x128xf32>
    %dot_general3A_33 = tpu.matmul %add3A_29, %get3A_32, %dot_general3A {dimension_numbers = #tpu.dot_dimension_numbers<[1], [0], [0], [1], [0, 0, 1, 1], [], []>, precision = #tpu.contract_precision<fp32>, transpose_lhs_hint = false} : vector<64x128xf32>, vector<128x128xf32>, vector<64x128xf32> -> vector<64x128xf32>
    %get3A_34 = arith.constant 0 : index
    %get3A_35 = arith.constant 0 : index
    %get3A_36 = vector.load %arg4[%get3A_34, %get3A_35] : memref<1x128xf32, #tpu.memory_space<vmem>>, vector<1x128xf32>
    %add3A_37 = vector.broadcast %get3A_36 : vector<1x128xf32> to vector<64x128xf32>
    %add3A_38 = arith.addf %dot_general3A_33, %add3A_37 : vector<64x128xf32>
    %max3A = arith.constant 0.000000e+00 : f32
    %max3A_39 = vector.broadcast %max3A : f32 to vector<64x128xf32>
    %max3A_40 = arith.maximumf %add3A_38, %max3A_39 : vector<64x128xf32>
    %reduce_sum3A_41 = arith.constant dense<0.000000e+00> : vector<128xf32>
    %reduce_sum3A_42 = vector.multi_reduction <add>, %max3A_40, %reduce_sum3A_41 [0] : vector<64x128xf32> to vector<128xf32>
    %broadcast_in_dim3A_43 = vector.shape_cast %reduce_sum3A_42 : vector<128xf32> to vector<1x128xf32>
    %div3A_44 = arith.constant 6.400000e+01 : f32
    %div3A_45 = vector.broadcast %div3A_44 : f32 to vector<1x128xf32>
    %div3A_46 = arith.divf %broadcast_in_dim3A_43, %div3A_45 : vector<1x128xf32>
    %sub3A_47 = vector.broadcast %div3A_46 : vector<1x128xf32> to vector<64x128xf32>
    %sub3A_48 = arith.subf %max3A_40, %sub3A_47 : vector<64x128xf32>
    %sub3A_49 = vector.broadcast %div3A_46 : vector<1x128xf32> to vector<64x128xf32>
    %sub3A_50 = arith.subf %max3A_40, %sub3A_49 : vector<64x128xf32>
    %mul3A_51 = arith.mulf %sub3A_48, %sub3A_50 : vector<64x128xf32>
    %reduce_sum3A_52 = arith.constant dense<0.000000e+00> : vector<128xf32>
    %reduce_sum3A_53 = vector.multi_reduction <add>, %mul3A_51, %reduce_sum3A_52 [0] : vector<64x128xf32> to vector<128xf32>
    %broadcast_in_dim3A_54 = vector.shape_cast %reduce_sum3A_53 : vector<128xf32> to vector<1x128xf32>
    %div3A_55 = arith.constant 6.400000e+01 : f32
    %div3A_56 = vector.broadcast %div3A_55 : f32 to vector<1x128xf32>
    %div3A_57 = arith.divf %broadcast_in_dim3A_54, %div3A_56 : vector<1x128xf32>
    %get3A_58 = arith.constant 0 : index
    %get3A_59 = arith.constant 0 : index
    %get3A_60 = vector.load %arg5[%get3A_58, %get3A_59] : memref<1x128xf32, #tpu.memory_space<vmem>>, vector<1x128xf32>
    %sub3A_61 = vector.broadcast %div3A_46 : vector<1x128xf32> to vector<64x128xf32>
    %sub3A_62 = arith.subf %max3A_40, %sub3A_61 : vector<64x128xf32>
    %mul3A_63 = vector.broadcast %get3A_60 : vector<1x128xf32> to vector<64x128xf32>
    %mul3A_64 = arith.mulf %mul3A_63, %sub3A_62 : vector<64x128xf32>
    %add3A_65 = arith.constant 9.99999974E-6 : f32
    %add3A_66 = vector.broadcast %add3A_65 : f32 to vector<1x128xf32>
    %add3A_67 = arith.addf %div3A_57, %add3A_66 : vector<1x128xf32>
    %rsqrt3A_68 = math.rsqrt %add3A_67 : vector<1x128xf32>
    %mul3A_69 = vector.broadcast %rsqrt3A_68 : vector<1x128xf32> to vector<64x128xf32>
    %mul3A_70 = arith.mulf %mul3A_64, %mul3A_69 : vector<64x128xf32>
    %get3A_71 = arith.constant 0 : index
    %get3A_72 = arith.constant 0 : index
    %get3A_73 = vector.load %arg6[%get3A_71, %get3A_72] : memref<1x128xf32, #tpu.memory_space<vmem>>, vector<1x128xf32>
    %add3A_74 = vector.broadcast %get3A_73 : vector<1x128xf32> to vector<64x128xf32>
    %add3A_75 = arith.addf %mul3A_70, %add3A_74 : vector<64x128xf32>
    %get3A_76 = arith.constant 0 : index
    %get3A_77 = arith.constant 0 : index
    %get3A_78 = vector.load %arg7[%get3A_76, %get3A_77] : memref<128x10xf32, #tpu.memory_space<vmem>>, vector<128x10xf32>
    %dot_general3A_79 = arith.constant dense<0.000000e+00> : vector<64x10xf32>
    %dot_general3A_80 = tpu.matmul %add3A_75, %get3A_78, %dot_general3A_79 {dimension_numbers = #tpu.dot_dimension_numbers<[1], [0], [0], [1], [0, 0, 1, 1], [], []>, precision = #tpu.contract_precision<fp32>, transpose_lhs_hint = false} : vector<64x128xf32>, vector<128x10xf32>, vector<64x10xf32> -> vector<64x10xf32>
    %get3A_81 = arith.constant 0 : index
    %get3A_82 = arith.constant 0 : index
    %get3A_83 = vector.load %arg8[%get3A_81, %get3A_82] : memref<1x10xf32, #tpu.memory_space<vmem>>, vector<1x10xf32>
    %add3A_84 = vector.broadcast %get3A_83 : vector<1x10xf32> to vector<64x10xf32>
    %add3A_85 = arith.addf %dot_general3A_80, %add3A_84 : vector<64x10xf32>
    %reduce_max3A = arith.constant dense<0xFF800000> : vector<64xf32>
    %reduce_max3A_86 = vector.multi_reduction <maximumf>, %add3A_85, %reduce_max3A [1] : vector<64x10xf32> to vector<64xf32>
    %broadcast_in_dim3A_87 = vector.shape_cast %reduce_max3A_86 : vector<64xf32> to vector<64x1xf32>
    %sub3A_88 = vector.broadcast %broadcast_in_dim3A_87 : vector<64x1xf32> to vector<64x10xf32>
    %sub3A_89 = arith.subf %add3A_85, %sub3A_88 : vector<64x10xf32>
    %exp3A = math.exp %sub3A_89 : vector<64x10xf32>
    %reduce_sum3A_90 = arith.constant dense<0.000000e+00> : vector<64xf32>
    %reduce_sum3A_91 = vector.multi_reduction <add>, %exp3A, %reduce_sum3A_90 [1] : vector<64x10xf32> to vector<64xf32>
    %broadcast_in_dim3A_92 = vector.shape_cast %reduce_sum3A_91 : vector<64xf32> to vector<64x1xf32>
    %log3A = math.log %broadcast_in_dim3A_92 : vector<64x1xf32>
    %add3A_93 = arith.addf %log3A, %broadcast_in_dim3A_87 : vector<64x1xf32>
    %sub3A_94 = vector.broadcast %add3A_93 : vector<64x1xf32> to vector<64x10xf32>
    %sub3A_95 = arith.subf %add3A_85, %sub3A_94 : vector<64x10xf32>
    %swap3A = arith.constant 0 : index
    %swap3A_96 = arith.constant 0 : index
    %swap3A_97 = vector.load %arg9[%swap3A, %swap3A_96] : memref<64x10xf32, #tpu.memory_space<vmem>>, vector<64x10xf32>
    tpu.vector_store %arg9[%swap3A, %swap3A_96], %sub3A_95 {strides = array<i32>} : memref<64x10xf32, #tpu.memory_space<vmem>>, vector<64x10xf32>,
    return
  }
}

</mosaic_0001>

<sc_bundles>
// kernel: closed_call.16.cloned.1.call-start
scs
__scs_entry_jumppad:
0x0: {  	(pc) =	sbr.rel $0x88, $3  }
0x1: {  	(tag) =	ssettag $0x0;
	lr =	simm.s32 $0x1  }
0x2: {  	[smem:$0x3F87] =	sst lr;
	_ =	strace $0xD0000000  }
0x3: {  	_ = 	snop  }
0x4: {  	_ = 	snop  }
0x5: {  	_ = 	snop  }
0x6: {  	_ = 	snop  }
0x7: {  	_ = 	snop  }
__scs_overlays_trampoline_lowered:
0x8: {  	[smem:$0x3F96] =	sst s0  }
0x9: {  	[smem:$0x3F97] =	sst s1  }
0xa: {  	[smem:$0x3F98] =	sst s2  }
0xb: {  	[smem:$0x3F99] =	sst s3  }
0xc: {  	[smem:$0x3F9A] =	sst s4  }
0xd: {  	[smem:$0x3F9B] =	sst s5  }
0xe: {  	[smem:$0x3F9C] =	sst s6  }
0xf: {  	[smem:$0x3F9D] =	sst s7  }
0x10: {  	[smem:$0x3F9E] =	sst s8  }
0x11: {  	[smem:$0x3F9F] =	sst s9;
	s0 =	simm.s32 @!p0 $0x0  }
0x12: {  	s1 =	sld [smem:$0x3F85];
	s0 =	simm.s32 @p0 $0x1  }
0x13: {  	[smem:$0x3FA0] =	sst s0;
	s0 =	simm.s32 @!p1 $0x0  }
0x14: {  	s2 =	sld [smem:$0x3F84];
	s0 =	simm.s32 @p1 $0x1  }
0x15: {  	[smem:$0x3FA1] =	sst s0;
	s0 =	simm.s32 @!p2 $0x0  }
0x16: {  	s3 =	sld [smem:$0x3FDB];
	s0 =	simm.s32 @p2 $0x1  }
0x17: {  	s4 =	simm.s32 $0x1BF5;
	[smem:$0x3FA3] =	sst s0  }
0x18: {  	s0 =	sld [smem:$0x3F86];
	_ =	swait.ge [sflag:s4], $0x0  }
0x19: {  	s7 =	sld [smem:$0x3F87]  }
0x1a: {  	s8 =	sadd.s32 $0xFFFFE003, lr  }
0x1b: {  	s9 =	sadd.s32 $0xFFFFFEF7, lr;
	s5 =	simm.s32 $0xFFFFFFFF;
	p2 =	slt.u32 s8, $0xFFFFF086  }
0x1c: {  	p1 =	slt.u32 s9, $0xF7A;
	s5 =	simm.s32 @!p2 $0x0  }
0x1d: {  	s5 =	simm.s32 @p1 $0x1;
	p0 =	seq.s32 s7, s2  }
0x1e: {  	s7 =	smul.u32 @!p0 $0xF7A, s2;
	p2 =	seq.s32 @!p0 s5, $0x0  }
0x1f: {  	s9 =	smul.u32 $0xF7A, s1;
	s8 =	simm.s32 @!p0 $0x1BF5;
	p2 =	por !p2, p0  }
0x20: {  	[sflag:s8] =	ssyncset.s32 @!p0 $0xFFFFF086;
	s6 =	sadd.s32 @!p0 s3, s7;
	s7 =	simm.s32 @!p0 $0x108  }
0x21: {  	s3 =	sadd.s32 s3, s9;
	s6 =	sadd.s32 @!p0 $0x88, s6;
	s7 =	simm.s32 @p2 $0x1082  }
0x22: {  	[simem:s7], [sflag:s8] =	dma.local @!p0 [hbm:s6], $0xF7A  }
0x23: {  	s9 =	sor.u32 $0xD0000000, s2;
	s6 =	simm.s32 $0x108;
	_ =	swait.ge @!p0 [sflag:s8], $0x0  }
0x24: {  	s3 =	sadd.s32 $0x88, s3;
	s6 =	simm.s32 @!p1 $0x1082;
	[sflag:s4] =	ssyncset.s32 $0xFFFFF086  }
0x25: {  	[simem:s6], [sflag:s4] =	dma.local [hbm:s3], $0xF7A  }
0x26: {  	[smem:$0x3F87] =	sst s1;
	(tag) =	ssettag s2;
	_ =	strace s9  }
0x27: {  	s1 =	sld [smem:$0x3F97]  }
0x28: {  	s2 =	sld [smem:$0x3F98]  }
0x29: {  	s4 =	sld [smem:$0x3F9A]  }
0x2a: {  	p0 =	seq.s32 s5, $0x0;
	s5 =	sld [smem:$0x3F9B]  }
0x2b: {  	s6 =	sld [smem:$0x3F9C]  }
0x2c: {  	s7 =	sld [smem:$0x3F9D]  }
0x2d: {  	s3 =	simm.s32 $0x108;
	s8 =	sld [smem:$0x3F9E]  }
0x2e: {  	s3 =	simm.s32 @!p0 $0x1082;
	s9 =	sld [smem:$0x3F9F]  }
0x2f: {  	lr =	sadd.s32 s0, s3;
	s0 =	sld [smem:$0x3F96]  }
0x30: {  	s3 =	sld [smem:$0x3F99]  }
0x31: {  	[smem:$0x3FA2] =	sst s10  }
0x32: {  	s10 =	sld [smem:$0x3FA0];
	_ =	sdelay $0x3  }
0x33: {  	p0 =	seq.s32 s10, $0x1;
	s10 =	sld [smem:$0x3FA2];
	_ =	sdelay $0x3  }
0x34: {  	[smem:$0x3FA2] =	sst s10  }
0x35: {  	s10 =	sld [smem:$0x3FA1];
	_ =	sdelay $0x3  }
0x36: {  	p1 =	seq.s32 s10, $0x1;
	s10 =	sld [smem:$0x3FA2];
	_ =	sdelay $0x3  }
0x37: {  	[smem:$0x3FA2] =	sst s10  }
0x38: {  	s10 =	sld [smem:$0x3FA3]  }
0x39: {  	_ = 	snop;
	(pc) =	sbr.ind lr, $3  }
0x3a: {  	_ = 	snop  }
0x3b: {  	_ = 	snop  }
0x3c: {  	p2 =	seq.s32 s10, $0x1;
	s10 =	sld [smem:$0x3FA2]  }
0x3d: {  	_ =	shalt  }
0x3e: {  	_ =	shalt  }
0x3f: {  	_ =	shalt  }
0x40: {  	_ =	shalt  }
0x41: {  	_ =	shalt  }
0x42: {  	_ =	shalt  }
0x43: {  	_ =	shalt  }
0x44: {  	_ =	shalt  }
0x45: {  	_ =	shalt  }
0x46: {  	_ =	shalt  }
0x47: {  	_ =	shalt  }
0x48: {  	_ =	shalt  }
0x49: {  	_ =	shalt  }
0x4a: {  	_ =	shalt  }
0x4b: {  	_ =	shalt  }
0x4c: {  	_ =	shalt  }
0x4d: {  	_ =	shalt  }
0x4e: {  	_ =	shalt  }
0x4f: {  	_ =	shalt  }
0x50: {  	_ =	shalt  }
0x51: {  	_ =	shalt  }
0x52: {  	_ =	shalt  }
0x53: {  	_ =	shalt  }
0x54: {  	_ =	shalt  }
0x55: {  	_ =	shalt  }
0x56: {  	_ =	shalt  }
0x57: {  	_ =	shalt  }
0x58: {  	_ =	shalt  }
0x59: {  	_ =	shalt  }
0x5a: {  	_ =	shalt  }
0x5b: {  	_ =	shalt  }
0x5c: {  	_ =	shalt  }
0x5d: {  	_ =	shalt  }
0x5e: {  	_ =	shalt  }
0x5f: {  	_ =	shalt  }
0x60: {  	_ =	shalt  }
0x61: {  	_ =	shalt  }
0x62: {  	_ =	shalt  }
0x63: {  	_ =	shalt  }
0x64: {  	_ =	shalt  }
0x65: {  	_ =	shalt  }
0x66: {  	_ =	shalt  }
0x67: {  	_ =	shalt  }
0x68: {  	_ =	shalt  }
0x69: {  	_ =	shalt  }
0x6a: {  	_ =	shalt  }
0x6b: {  	_ =	shalt  }
0x6c: {  	_ =	shalt  }
0x6d: {  	_ =	shalt  }
0x6e: {  	_ =	shalt  }
0x6f: {  	_ =	shalt  }
0x70: {  	_ =	shalt  }
0x71: {  	_ =	shalt  }
0x72: {  	_ =	shalt  }
0x73: {  	_ =	shalt  }
0x74: {  	_ =	shalt  }
0x75: {  	_ =	shalt  }
0x76: {  	_ =	shalt  }
0x77: {  	_ =	shalt  }
0x78: {  	_ =	shalt  }
0x79: {  	_ =	shalt  }
0x7a: {  	_ =	shalt  }
0x7b: {  	_ =	shalt  }
0x7c: {  	_ =	shalt  }
0x7d: {  	_ =	shalt  }
0x7e: {  	_ =	shalt  }
0x7f: {  	_ =	shalt  }
0x80: {  	_ =	shalt  }
0x81: {  	_ =	shalt  }
0x82: {  	_ =	shalt  }
0x83: {  	_ =	shalt  }
0x84: {  	_ =	shalt  }
0x85: {  	_ =	shalt  }
0x86: {  	_ =	shalt  }
0x87: {  	_ =	shalt  }
.Lfunc_end0:
.L_simem_size_0:
called_computation_lowered:
.L_overlay_start_0:
0x88: {  	s2 =	sld [smem:$0x3FD9]  }
0x89: {  	s3 =	sld [smem:$0x3FFE];
	_ =	sdelay $0x1  }
0x8a: {  	s1 =	srdreg.scid  }
0x8b: {  	s0 =	sand.u32 $0x1, s1  }
0x8c: {  	s16 =	sshll.u32 s0, $0xA;
	s2 =	sadd.s32 s3, s2  }
0x8d: {  	s2 =	sadd.s32 s2, s16  }
0x8e: {  	[smem:$0x3FAE] =	sst s2  }
0x8f: {  	_ = 	snop  }
0x90: {  	(tm) =	ssettm $0x1  }
0x91: {  	s17 =	sld [smem:$0x3FFB];
	_ =	sdelay $0x3  }
0x92: {  	_ =	strace s17  }
0x93: {  	s2 =	sld [smem:$0x3FFC];
	_ =	sdelay $0x3  }
0x94: {  	_ =	strace s2  }
0x95: {  	s2 =	sld [smem:$0x3FFD];
	_ =	sdelay $0x3  }
0x96: {  	_ =	strace s2  }
0x97: {  	_ =	strace $0x8FFFFFFF  }
0x98: {  	s18 =	sld [smem:$0x3FDB];
	_ =	sdelay $0x1  }
0x99: {  	s19 =	simm.s32 $_scs_section_size  }
0x9a: {  	s4 =	simm.s32 $_size__tile_overlayer_lowered;
	s5 =	simm.s32 $_tile_overlayer_lowered  }
0x9b: {  	s22 =	simm.s32 $0x1BFF;
	s21 =	sshll.u32 s5, $0x1;
	s2 =	sadd.s32 s19, s18  }
0x9c: {  	s6 =	simm.s32 $0x0;
	s20 =	sshll.u32 s4, $0x1;
	s4 =	sadd.s32 s21, s2  }
0x9d: {  	[timem:s6], [sflag:s22] =	dma.local [hbm:s4], s20  }
0x9e: {  	_ =	swait.ge [sflag:s22], s20  }
0x9f: {  	s3 =	ssub.s32 $0x0, s20;
	[sflag:s22] =	ssyncset.done $0x0  }
0xa0: {  	[sflag:s22] =	ssyncadd.s32 s3;
	_ =	sdelay $0x1  }
0xa1: {  	s23 =	simm.s32 $0x1B8B  }
0xa2: {  	_ =	swait.ge [sflag:s23], $0x1  }
0xa3: {  	[sflag:s23] =	ssyncset.done $0x0  }
0xa4: {  	s25 =	simm.s32 $0x1B8E;
	s24 =	sld [smem:$0x3FFE];
	[sflag:s23] =	ssyncadd.s32 $0xFFFFFFFF  }
0xa5: {  	s26 =	simm.s32 $execute0_lowered;
	[smem:$0x3FD2] =	sst s25  }
0xa6: {  	s4 =	sshll.u32 s26, $0x1;
	_ =	strace $0x80000049;
	[dreg:$0x1] =	wrdreg $0xFFFFFFFF  }
0xa7: {  	s28 =	simm.s32 $_size_execute0_lowered;
	s2 =	sadd.s32 s2, s4;
	[dreg:$0x0] =	wrdreg $0x0  }
0xa8: {  	s4 =	sshll.u32 s28, $0x1;
	[dreg:$0x2] =	wrdreg s2  }
0xa9: {  	[dreg:$0x3] =	wrdreg s4  }
0xaa: {  	[dreg:$0x4] =	wrdreg $0xC0  }
0xab: {  	_ =	task [dreg:s6], $0x5FFFF  }
0xac: {  	[dreg:$0x1] =	wrdreg $0xFFFFFFFF  }
0xad: {  	[dreg:$0x0] =	wrdreg $0x60  }
0xae: {  	[dreg:$0x2] =	wrdreg s24  }
0xaf: {  	[dreg:$0x3] =	wrdreg $0xCE400  }
0xb0: {  	[dreg:$0x4] =	wrdreg $0x9  }
0xb1: {  	_ =	task.clear_ibuf [dreg:s6], $0x5FFFF;
	_ =	strace $0x90000049  }
0xb2: {  	s29 =	simm.s32 $0x9;
	_ =	strace $0x8000004B  }
0xb3: {  	_ =	swait.ge [sflag:s29], $0x1  }
0xb4: {  	[sflag:s29] =	ssyncadd.s32 $0xFFFFFFFF  }
0xb5: {  	_ =	strace $0x9000004B  }
0xb6: {  	_ =	sfence  }
0xb7: {  	s30 =	sld [smem:$0x0];
	_ =	sdelay $0x2  }
0xb8: {  	s31 =	sshll.u32 s1, $0xD;
	s1 =	sshrl.u32 s1, $0x2  }
0xb9: {  	s3 =	sand.u32 $0x4000, s31;
	s1 =	sadd.s32 s1, s30  }
0xba: {  	s0 =	sor.u32 s3, s0;
	s1 =	sshll.u32 s1, $0x11  }
0xbb: {  	s0 =	sor.u32 s1, s0  }
0xbc: {  	s0 =	sadd.s32 $0x8F2B, s0  }
0xbd: {  	[sflag:s0] =	ssyncadd.remote.s32 $0x1  }
0xbe: {  	_ =	sfence.sel $0xFFFF  }
0xbf: {  	[dreg:$0x0] =	wrdreg $0xFFFFFFFF;
	(pc) =	sbr.abs _section_cstart, $3  }
0xc0: {  	[dreg:$0x1] =	wrdreg $0xFFFFFFFF  }
0xc1: {  	_ =	task.clear_ibuf [dreg:s6], $0x2FFFF;
	_ =	strace $0x9FFFFFFF  }
0xc2: {  	(tm) =	ssettm $0x7FFFFFFF  }
0xc3: {  	_ =	shalt  }
tec
execute0_lowered:
.L_overlay_start_1:
0x0: {  	(tag) =	ssettag $0x1  }
0x1: {  	s4 =	rddreg [dreg:$0x0]  }
0x2: {  	s1 =	rddreg [dreg:$0x1];
	s2 =	srdreg.scid  }
0x3: {  	s0 =	rddreg [dreg:$0x2];
	s3 =	simm.s32 $0x0;
	s17 =	simm.s32 $0x320  }
0x4: {  	s18 =	simm.s32 $0x190;
	s19 =	simm.s32 $0x640;
	s20 =	simm.s32 $0x4B0  }
0x5: {  	s21 =	simm.s32 $0x6A40;
	s22 =	simm.s32 $0x1;
	s23 =	simm.s32 $0x2  }
0x6: {  	s24 =	simm.s32 $0x3;
	s25 =	simm.s32 $0x4;
	s5 =	sand.u32 $0x1, s2  }
0x7: {  	s26 =	simm.s32 $0x0;
	s2 =	stileid.u32;
	s6 =	smul.u32 $0xA0000, s5  }
0x8: {  	[smem:$0x7FF] =	sst s3;
	s14 =	sadd.s32 $0x4E00, s4;
	s7 =	smul.u32 $0xA000, s2  }
0x9: {  	s13 =	sadd.s32 $0xEC00, s4;
	_ =	strace $0x8000004A;
	s29 =	smul.u32 $0x4E20, s2  }
0xa: {  	s5 =	ssub.s32 $0x2, s5;
	s30 =	sshll.u32 s2, $0x6;
	s16 =	smul.u32 $0x9C4, s2  }
0xb: {  	s9 =	sshrl.u32 s5, $0x1;
	s8 =	sshrl.u32 s6, $0x3;
	s6 =	sadd.s32 s7, s6  }
0xc: {  	s9 =	ssub.s32 s5, s9;
	s28 =	sshrl.u32 s7, $0x3;
	s15 =	sadd.s32 s7, s1  }
0xd: {  	s31 =	sshrl.u32 s29, $0x3;
	s8 =	sadd.s32 s8, s4;
	s6 =	sshrl.u32 s6, $0x3  }
0xe: {  	s12 =	sadd.s32 $0x32, s31;
	s15 =	sshrl.u32 s15, $0x3;
	s10 =	sadd.s32 s6, s4  }
0xf: {  	s4 =	sadd.s32 $0x20A00, s8;
	s6 =	sor.u32 $0x1C05, s30;
	s8 =	smax.u32 s9, $0x1  }
0x10: {  	s9 =	sadd.s32 s14, s31;
	s11 =	sadd.s32 s14, s12;
	s12 =	sadd.s32 s13, s12  }
0x11: {  	s14 =	sadd.s32 s16, s14;
	s5 =	sadd.s32 s28, s4;
	s7 =	sadd.s32 $0x48A00, s10  }
0x12: {  	s10 =	sadd.s32 s13, s31;
	s13 =	sadd.s32 s16, s13;
	s16 =	simm.s32 $0x5  }
.LBB2_1:
0x13: {  	[spmem:s15], [sflag:s6] =	dma.local [hbm:s5], $0x1400  }
0x14: {  	_ =	swait.ge [sflag:s16], $0x1400  }
0x15: {  	[sflag:s16] =	ssyncset.done $0x0  }
0x16: {  	[sflag:s16] =	ssyncadd.s32 $0xFFFFEC00  }
0x17: {  	[bflag:$0x0] =	sbarrier.arrive $0xFFFF  }
0x18: {  	[tilespmem:s3], [sflag:$0x5] =	stream.linear.gather [hbm4b:s9+s3], $0x190, $0x38;
	[tilespmem:$0x16E40] =	vst v63  }
0x19: {  	_ =	swait.ge [sflag:s16], $0x190  }
0x1a: {  	[sflag:s16] =	ssyncset.done $0x0  }
0x1b: {  	[sflag:s16] =	ssyncadd.s32 $0xFFFFFE70  }
0x1c: {  	[tilespmem:s17], [sflag:$0x5] =	stream.linear.gather [hbm4b:s10+s3], $0x190, $0x38;
	[tilespmem:$0x16E40] =	vst v63  }
0x1d: {  	_ =	swait.ge [sflag:s16], $0x190  }
0x1e: {  	[sflag:s16] =	ssyncset.done $0x0  }
0x1f: {  	[sflag:s16] =	ssyncadd.s32 $0xFFFFFE70  }
0x20: {  	[tilespmem:s19], [sflag:$0x1] =	stream.indirect.gather [hbm4b:s4+s18], $0x40, s3, s18, $0xb8;
	[tilespmem:$0x16E40] =	vst v63  }
0x21: {  	_ = 	snop  }
0x22: {  	[tilespmem:s18], [sflag:$0x5] =	stream.linear.gather [hbm4b:s11+s3], $0x190, $0x38;
	[tilespmem:$0x16E40] =	vst v63  }
0x23: {  	_ =	swait.ge [sflag:s16], $0x190  }
0x24: {  	[sflag:s16] =	ssyncset.done $0x0  }
0x25: {  	[sflag:s16] =	ssyncadd.s32 $0xFFFFFE70  }
0x26: {  	[tilespmem:s20], [sflag:$0x5] =	stream.linear.gather [hbm4b:s12+s3], $0x190, $0x38;
	[tilespmem:$0x16E40] =	vst v63  }
0x27: {  	_ =	swait.ge [sflag:s16], $0x190  }
0x28: {  	[sflag:s16] =	ssyncset.done $0x0  }
0x29: {  	[sflag:s16] =	ssyncadd.s32 $0xFFFFFE70  }
0x2a: {  	[tilespmem:s21], [sflag:$0x2] =	stream.indirect.gather [hbm4b:s4+s18], $0x40, s18, s18, $0xb8;
	[tilespmem:$0x16E40] =	vst v63  }
0x2b: {  	_ =	swait.ge [sflag:s22], $0x6400  }
0x2c: {  	[sflag:s22] =	ssyncset.done $0x0  }
0x2d: {  	[sflag:s22] =	ssyncadd.s32 $0xFFFF9C00  }
0x2e: {  	[spmem:s1] =	stream.indirect.scatter.add.f32 [tilespmem:s19], [sflag:$0x3], $0x40, s17, s18, $0xb8;
	[tilespmem:$0x16E40] =	vst v63  }
0x2f: {  	_ =	swait.ge [sflag:s23], $0x6400  }
0x30: {  	[sflag:s23] =	ssyncset.done $0x0  }
0x31: {  	[sflag:s23] =	ssyncadd.s32 $0xFFFF9C00  }
0x32: {  	[spmem:s1] =	stream.indirect.scatter.add.f32 [tilespmem:s21], [sflag:$0x4], $0x40, s20, s18, $0xb8;
	[tilespmem:$0x16E40] =	vst v63  }
0x33: {  	_ =	swait.ge [sflag:s24], $0x6400  }
0x34: {  	[sflag:s24] =	ssyncset.done $0x0  }
0x35: {  	[sflag:s24] =	ssyncadd.s32 $0xFFFF9C00  }
0x36: {  	_ =	swait.ge [sflag:s25], $0x6400  }
0x37: {  	s28 =	sadd.s32 $0xFFFFF6A0, s14;
	[sflag:s25] =	ssyncset.done $0x0  }
0x38: {  	s29 =	sadd.s32 $0x9C4, s28;
	[sflag:s25] =	ssyncadd.s32 $0xFFFF9C00  }
0x39: {  	[tilespmem:s3], [sflag:$0x5] =	stream.linear.gather [hbm4b:s29+s3], $0x190, $0x38;
	[tilespmem:$0x16E40] =	vst v63  }
0x3a: {  	_ =	swait.ge [sflag:s16], $0x190  }
0x3b: {  	s31 =	sadd.s32 $0xFFFFF6A0, s13;
	[sflag:s16] =	ssyncset.done $0x0  }
0x3c: {  	s30 =	sadd.s32 $0x9C4, s31;
	[sflag:s16] =	ssyncadd.s32 $0xFFFFFE70  }
0x3d: {  	[tilespmem:s17], [sflag:$0x5] =	stream.linear.gather [hbm4b:s30+s3], $0x190, $0x38;
	[tilespmem:$0x16E40] =	vst v63  }
0x3e: {  	_ =	swait.ge [sflag:s16], $0x190  }
0x3f: {  	[sflag:s16] =	ssyncset.done $0x0  }
0x40: {  	[sflag:s16] =	ssyncadd.s32 $0xFFFFFE70  }
0x41: {  	[tilespmem:s19], [sflag:$0x1] =	stream.indirect.gather [hbm4b:s4+s18], $0x40, s3, s18, $0xb8;
	[tilespmem:$0x16E40] =	vst v63  }
0x42: {  	s28 =	sadd.s32 $0x9F6, s28  }
0x43: {  	[tilespmem:s18], [sflag:$0x5] =	stream.linear.gather [hbm4b:s28+s3], $0x190, $0x38;
	[tilespmem:$0x16E40] =	vst v63  }
0x44: {  	_ =	swait.ge [sflag:s16], $0x190  }
0x45: {  	[sflag:s16] =	ssyncset.done $0x0  }
0x46: {  	s28 =	sadd.s32 $0x9F6, s31;
	[sflag:s16] =	ssyncadd.s32 $0xFFFFFE70  }
0x47: {  	[tilespmem:s20], [sflag:$0x5] =	stream.linear.gather [hbm4b:s28+s3], $0x190, $0x38;
	[tilespmem:$0x16E40] =	vst v63  }
0x48: {  	_ =	swait.ge [sflag:s16], $0x190  }
0x49: {  	[sflag:s16] =	ssyncset.done $0x0  }
0x4a: {  	[sflag:s16] =	ssyncadd.s32 $0xFFFFFE70  }
0x4b: {  	[tilespmem:s21], [sflag:$0x2] =	stream.indirect.gather [hbm4b:s4+s18], $0x40, s18, s18, $0xb8;
	[tilespmem:$0x16E40] =	vst v63  }
0x4c: {  	_ =	swait.ge [sflag:s22], $0x6400  }
0x4d: {  	[sflag:s22] =	ssyncset.done $0x0  }
0x4e: {  	[sflag:s22] =	ssyncadd.s32 $0xFFFF9C00  }
0x4f: {  	[spmem:s1] =	stream.indirect.scatter.add.f32 [tilespmem:s19], [sflag:$0x3], $0x40, s17, s18, $0xb8;
	[tilespmem:$0x16E40] =	vst v63  }
0x50: {  	_ =	swait.ge [sflag:s23], $0x6400  }
0x51: {  	[sflag:s23] =	ssyncset.done $0x0  }
0x52: {  	s28 =	simm.s32 $0xFFFFF704;
	[sflag:s23] =	ssyncadd.s32 $0xFFFF9C00  }
.LBB2_2:
0x53: {  	[spmem:s1] =	stream.indirect.scatter.add.f32 [tilespmem:s21], [sflag:$0x4], $0x40, s20, s18, $0xb8;
	[tilespmem:$0x16E40] =	vst v63  }
0x54: {  	s29 =	smov.u32 s28  }
0x55: {  	p0 =	sne.s32 s28, $0xFFFFFF9C;
	s28 =	sadd.s32 $0x64, s28;
	_ =	swait.ge [sflag:s24], $0x6400  }
0x56: {  	[sflag:s24] =	ssyncset.done $0x0  }
0x57: {  	[sflag:s24] =	ssyncadd.s32 $0xFFFF9C00  }
0x58: {  	_ =	swait.ge [sflag:s25], $0x6400  }
0x59: {  	s30 =	sadd.s32 s29, s14;
	[sflag:s25] =	ssyncset.done $0x0  }
0x5a: {  	s31 =	sadd.s32 $0x9C4, s30;
	[sflag:s25] =	ssyncadd.s32 $0xFFFF9C00  }
0x5b: {  	[tilespmem:s3], [sflag:$0x5] =	stream.linear.gather [hbm4b:s31+s3], $0x190, $0x38;
	[tilespmem:$0x16E40] =	vst v63  }
0x5c: {  	_ =	swait.ge [sflag:s16], $0x190  }
0x5d: {  	s29 =	sadd.s32 s29, s13;
	[sflag:s16] =	ssyncset.done $0x0  }
0x5e: {  	s31 =	sadd.s32 $0x9C4, s29;
	[sflag:s16] =	ssyncadd.s32 $0xFFFFFE70  }
0x5f: {  	[tilespmem:s17], [sflag:$0x5] =	stream.linear.gather [hbm4b:s31+s3], $0x190, $0x38;
	[tilespmem:$0x16E40] =	vst v63  }
0x60: {  	_ =	swait.ge [sflag:s16], $0x190  }
0x61: {  	[sflag:s16] =	ssyncset.done $0x0  }
0x62: {  	[sflag:s16] =	ssyncadd.s32 $0xFFFFFE70  }
0x63: {  	[tilespmem:s19], [sflag:$0x1] =	stream.indirect.gather [hbm4b:s4+s18], $0x40, s3, s18, $0xb8;
	[tilespmem:$0x16E40] =	vst v63  }
0x64: {  	s30 =	sadd.s32 $0x9F6, s30  }
0x65: {  	[tilespmem:s18], [sflag:$0x5] =	stream.linear.gather [hbm4b:s30+s3], $0x190, $0x38;
	[tilespmem:$0x16E40] =	vst v63  }
0x66: {  	_ =	swait.ge [sflag:s16], $0x190  }
0x67: {  	[sflag:s16] =	ssyncset.done $0x0  }
0x68: {  	s29 =	sadd.s32 $0x9F6, s29;
	[sflag:s16] =	ssyncadd.s32 $0xFFFFFE70  }
0x69: {  	[tilespmem:s20], [sflag:$0x5] =	stream.linear.gather [hbm4b:s29+s3], $0x190, $0x38;
	[tilespmem:$0x16E40] =	vst v63  }
0x6a: {  	_ =	swait.ge [sflag:s16], $0x190  }
0x6b: {  	[sflag:s16] =	ssyncset.done $0x0  }
0x6c: {  	[sflag:s16] =	ssyncadd.s32 $0xFFFFFE70  }
0x6d: {  	[tilespmem:s21], [sflag:$0x2] =	stream.indirect.gather [hbm4b:s4+s18], $0x40, s18, s18, $0xb8;
	[tilespmem:$0x16E40] =	vst v63  }
0x6e: {  	_ =	swait.ge [sflag:s22], $0x6400  }
0x6f: {  	[sflag:s22] =	ssyncset.done $0x0  }
.Ltmp0:
0x70: {  	[sflag:s22] =	ssyncadd.s32 $0xFFFF9C00;
	(pc) =	sbr.rel @p0 .LBB2_2-.Ltmp0, $4  }
0x71: {  	[spmem:s1] =	stream.indirect.scatter.add.f32 [tilespmem:s19], [sflag:$0x3], $0x40, s17, s18, $0xb8;
	[tilespmem:$0x16E40] =	vst v63  }
0x72: {  	_ =	swait.ge [sflag:s23], $0x6400  }
0x73: {  	[sflag:s23] =	ssyncset.done $0x0  }
0x74: {  	[sflag:s23] =	ssyncadd.s32 $0xFFFF9C00  }
0x75: {  	[spmem:s1] =	stream.indirect.scatter.add.f32 [tilespmem:s21], [sflag:$0x4], $0x40, s20, s18, $0xb8;
	[tilespmem:$0x16E40] =	vst v63  }
0x76: {  	_ =	swait.ge [sflag:s24], $0x6400  }
0x77: {  	[sflag:s24] =	ssyncset.done $0x0  }
0x78: {  	[sflag:s24] =	ssyncadd.s32 $0xFFFF9C00  }
0x79: {  	_ =	swait.ge [sflag:s25], $0x6400  }
0x7a: {  	s26 =	sadd.s32 $0x1, s26;
	[sflag:s25] =	ssyncset.done $0x0  }
0x7b: {  	p0 =	sne.s32 s26, s8;
	[sflag:s25] =	ssyncadd.s32 $0xFFFF9C00  }
.Ltmp1:
0x7c: {  	[bflag:$0x0] =	sbarrier.arrive $0xFFFF;
	(pc) =	sbr.rel @p0 .LBB2_1-.Ltmp1, $4  }
0x7d: {  	[hbm:s7], [sflag:s6] =	dma.local [spmem:s15], $0x1400  }
0x7e: {  	_ =	swait.ge [sflag:s16], $0x1400  }
0x7f: {  	[sflag:s16] =	ssyncset.done $0x0  }
0x80: {  	[sflag:s16] =	ssyncadd.s32 $0xFFFFEC00  }
0x81: {  	_ =	sfence.sel $0x180000  }
0x82: {  	[bflag:$0x0] =	sbarrier.arrive $0xFFFF  }
0x83: {  	p0 =	sne.s32 s2, $0x0;
	_ =	strace $0x9000004A  }
0x84: {  	s0 =	sadd.s32 @!p0 $0x100000, s0;
	[bflag:$0x2] =	sbarrier.arrive $0xFFFF  }
0x85: {  	[sflag:s0] =	ssyncadd.tile.s32 @!p0 $0x1;
	_ =	shalt  }
.Lfunc_end2:
_tile_overlayer_lowered:
.L_overlay_start_2:
0x86: {  	(tag) =	ssettag $0x2  }
0x87: {  	s0 =	rddreg [dreg:$0x0];
	s2 =	stileid.u32  }
0x88: {  	s1 =	rddreg [dreg:$0x1];
	p0 =	sne.s32 s2, $0x0  }
0x89: {  	s3 =	rddreg [dreg:$0x2];
	[bflag:$0x3] =	sbarrier.arrive $0xFFFF;
	s2 =	simm.s32 @!p0 $0x1C05  }
0x8a: {  	[timem:s3], [sflag:s2] =	dma.local @!p0 [hbm:s0], s1  }
0x8b: {  	s0 =	simm.s32 @!p0 $0x5  }
0x8c: {  	_ =	swait.ge @!p0 [sflag:s0], s1  }
0x8d: {  	s1 =	ssub.s32 @!p0 $0x0, s1;
	[sflag:s0] =	ssyncset.done @!p0 $0x0  }
0x8e: {  	[sflag:s0] =	ssyncadd.s32 @!p0 s1  }
0x8f: {  	[bflag:$0x3] =	sbarrier.arrive $0xFFFF  }
0x90: {  	_ =	shalt  }

// kernel: kernel.7.cloned.1.call-start
scs
__scs_entry_jumppad:
0x0: {  	(pc) =	sbr.rel $0x88, $3  }
0x1: {  	(tag) =	ssettag $0x0;
	lr =	simm.s32 $0x1  }
0x2: {  	[smem:$0x3F87] =	sst lr;
	_ =	strace $0xD0000000  }
0x3: {  	_ = 	snop  }
0x4: {  	_ = 	snop  }
0x5: {  	_ = 	snop  }
0x6: {  	_ = 	snop  }
0x7: {  	_ = 	snop  }
__scs_overlays_trampoline_lowered:
0x8: {  	[smem:$0x3F96] =	sst s0  }
0x9: {  	[smem:$0x3F97] =	sst s1  }
0xa: {  	[smem:$0x3F98] =	sst s2  }
0xb: {  	[smem:$0x3F99] =	sst s3  }
0xc: {  	[smem:$0x3F9A] =	sst s4  }
0xd: {  	[smem:$0x3F9B] =	sst s5  }
0xe: {  	[smem:$0x3F9C] =	sst s6  }
0xf: {  	[smem:$0x3F9D] =	sst s7  }
0x10: {  	[smem:$0x3F9E] =	sst s8  }
0x11: {  	[smem:$0x3F9F] =	sst s9;
	s0 =	simm.s32 @!p0 $0x0  }
0x12: {  	s1 =	sld [smem:$0x3F85];
	s0 =	simm.s32 @p0 $0x1  }
0x13: {  	[smem:$0x3FA0] =	sst s0;
	s0 =	simm.s32 @!p1 $0x0  }
0x14: {  	s2 =	sld [smem:$0x3F84];
	s0 =	simm.s32 @p1 $0x1  }
0x15: {  	[smem:$0x3FA1] =	sst s0;
	s0 =	simm.s32 @!p2 $0x0  }
0x16: {  	s3 =	sld [smem:$0x3FDB];
	s0 =	simm.s32 @p2 $0x1  }
0x17: {  	s4 =	simm.s32 $0x1BF5;
	[smem:$0x3FA3] =	sst s0  }
0x18: {  	s0 =	sld [smem:$0x3F86];
	_ =	swait.ge [sflag:s4], $0x0  }
0x19: {  	s7 =	sld [smem:$0x3F87]  }
0x1a: {  	s8 =	sadd.s32 $0xFFFFE003, lr  }
0x1b: {  	s9 =	sadd.s32 $0xFFFFFEF7, lr;
	s5 =	simm.s32 $0xFFFFFFFF;
	p2 =	slt.u32 s8, $0xFFFFF086  }
0x1c: {  	p1 =	slt.u32 s9, $0xF7A;
	s5 =	simm.s32 @!p2 $0x0  }
0x1d: {  	s5 =	simm.s32 @p1 $0x1;
	p0 =	seq.s32 s7, s2  }
0x1e: {  	s7 =	smul.u32 @!p0 $0xF7A, s2;
	p2 =	seq.s32 @!p0 s5, $0x0  }
0x1f: {  	s9 =	smul.u32 $0xF7A, s1;
	s8 =	simm.s32 @!p0 $0x1BF5;
	p2 =	por !p2, p0  }
0x20: {  	[sflag:s8] =	ssyncset.s32 @!p0 $0xFFFFF086;
	s6 =	sadd.s32 @!p0 s3, s7;
	s7 =	simm.s32 @!p0 $0x108  }
0x21: {  	s3 =	sadd.s32 s3, s9;
	s6 =	sadd.s32 @!p0 $0x88, s6;
	s7 =	simm.s32 @p2 $0x1082  }
0x22: {  	[simem:s7], [sflag:s8] =	dma.local @!p0 [hbm:s6], $0xF7A  }
0x23: {  	s9 =	sor.u32 $0xD0000000, s2;
	s6 =	simm.s32 $0x108;
	_ =	swait.ge @!p0 [sflag:s8], $0x0  }
0x24: {  	s3 =	sadd.s32 $0x88, s3;
	s6 =	simm.s32 @!p1 $0x1082;
	[sflag:s4] =	ssyncset.s32 $0xFFFFF086  }
0x25: {  	[simem:s6], [sflag:s4] =	dma.local [hbm:s3], $0xF7A  }
0x26: {  	[smem:$0x3F87] =	sst s1;
	(tag) =	ssettag s2;
	_ =	strace s9  }
0x27: {  	s1 =	sld [smem:$0x3F97]  }
0x28: {  	s2 =	sld [smem:$0x3F98]  }
0x29: {  	s4 =	sld [smem:$0x3F9A]  }
0x2a: {  	p0 =	seq.s32 s5, $0x0;
	s5 =	sld [smem:$0x3F9B]  }
0x2b: {  	s6 =	sld [smem:$0x3F9C]  }
0x2c: {  	s7 =	sld [smem:$0x3F9D]  }
0x2d: {  	s3 =	simm.s32 $0x108;
	s8 =	sld [smem:$0x3F9E]  }
0x2e: {  	s3 =	simm.s32 @!p0 $0x1082;
	s9 =	sld [smem:$0x3F9F]  }
0x2f: {  	lr =	sadd.s32 s0, s3;
	s0 =	sld [smem:$0x3F96]  }
0x30: {  	s3 =	sld [smem:$0x3F99]  }
0x31: {  	[smem:$0x3FA2] =	sst s10  }
0x32: {  	s10 =	sld [smem:$0x3FA0];
	_ =	sdelay $0x3  }
0x33: {  	p0 =	seq.s32 s10, $0x1;
	s10 =	sld [smem:$0x3FA2];
	_ =	sdelay $0x3  }
0x34: {  	[smem:$0x3FA2] =	sst s10  }
0x35: {  	s10 =	sld [smem:$0x3FA1];
	_ =	sdelay $0x3  }
0x36: {  	p1 =	seq.s32 s10, $0x1;
	s10 =	sld [smem:$0x3FA2];
	_ =	sdelay $0x3  }
0x37: {  	[smem:$0x3FA2] =	sst s10  }
0x38: {  	s10 =	sld [smem:$0x3FA3]  }
0x39: {  	_ = 	snop;
	(pc) =	sbr.ind lr, $3  }
0x3a: {  	_ = 	snop  }
0x3b: {  	_ = 	snop  }
0x3c: {  	p2 =	seq.s32 s10, $0x1;
	s10 =	sld [smem:$0x3FA2]  }
0x3d: {  	_ =	shalt  }
0x3e: {  	_ =	shalt  }
0x3f: {  	_ =	shalt  }
0x40: {  	_ =	shalt  }
0x41: {  	_ =	shalt  }
0x42: {  	_ =	shalt  }
0x43: {  	_ =	shalt  }
0x44: {  	_ =	shalt  }
0x45: {  	_ =	shalt  }
0x46: {  	_ =	shalt  }
0x47: {  	_ =	shalt  }
0x48: {  	_ =	shalt  }
0x49: {  	_ =	shalt  }
0x4a: {  	_ =	shalt  }
0x4b: {  	_ =	shalt  }
0x4c: {  	_ =	shalt  }
0x4d: {  	_ =	shalt  }
0x4e: {  	_ =	shalt  }
0x4f: {  	_ =	shalt  }
0x50: {  	_ =	shalt  }
0x51: {  	_ =	shalt  }
0x52: {  	_ =	shalt  }
0x53: {  	_ =	shalt  }
0x54: {  	_ =	shalt  }
0x55: {  	_ =	shalt  }
0x56: {  	_ =	shalt  }
0x57: {  	_ =	shalt  }
0x58: {  	_ =	shalt  }
0x59: {  	_ =	shalt  }
0x5a: {  	_ =	shalt  }
0x5b: {  	_ =	shalt  }
0x5c: {  	_ =	shalt  }
0x5d: {  	_ =	shalt  }
0x5e: {  	_ =	shalt  }
0x5f: {  	_ =	shalt  }
0x60: {  	_ =	shalt  }
0x61: {  	_ =	shalt  }
0x62: {  	_ =	shalt  }
0x63: {  	_ =	shalt  }
0x64: {  	_ =	shalt  }
0x65: {  	_ =	shalt  }
0x66: {  	_ =	shalt  }
0x67: {  	_ =	shalt  }
0x68: {  	_ =	shalt  }
0x69: {  	_ =	shalt  }
0x6a: {  	_ =	shalt  }
0x6b: {  	_ =	shalt  }
0x6c: {  	_ =	shalt  }
0x6d: {  	_ =	shalt  }
0x6e: {  	_ =	shalt  }
0x6f: {  	_ =	shalt  }
0x70: {  	_ =	shalt  }
0x71: {  	_ =	shalt  }
0x72: {  	_ =	shalt  }
0x73: {  	_ =	shalt  }
0x74: {  	_ =	shalt  }
0x75: {  	_ =	shalt  }
0x76: {  	_ =	shalt  }
0x77: {  	_ =	shalt  }
0x78: {  	_ =	shalt  }
0x79: {  	_ =	shalt  }
0x7a: {  	_ =	shalt  }
0x7b: {  	_ =	shalt  }
0x7c: {  	_ =	shalt  }
0x7d: {  	_ =	shalt  }
0x7e: {  	_ =	shalt  }
0x7f: {  	_ =	shalt  }
0x80: {  	_ =	shalt  }
0x81: {  	_ =	shalt  }
0x82: {  	_ =	shalt  }
0x83: {  	_ =	shalt  }
0x84: {  	_ =	shalt  }
0x85: {  	_ =	shalt  }
0x86: {  	_ =	shalt  }
0x87: {  	_ =	shalt  }
.Lfunc_end0:
.L_simem_size_0:
called_computation.1_lowered:
.L_overlay_start_0:
0x88: {  	s2 =	sld [smem:$0x3FD9]  }
0x89: {  	s3 =	sld [smem:$0x3FFE];
	_ =	sdelay $0x1  }
0x8a: {  	s1 =	srdreg.scid  }
0x8b: {  	s0 =	sand.u32 $0x1, s1  }
0x8c: {  	s16 =	sshll.u32 s0, $0xA;
	s2 =	sadd.s32 s3, s2  }
0x8d: {  	s2 =	sadd.s32 s2, s16  }
0x8e: {  	[smem:$0x3FAE] =	sst s2  }
0x8f: {  	_ = 	snop  }
0x90: {  	(tm) =	ssettm $0x1  }
0x91: {  	s17 =	sld [smem:$0x3FFB];
	_ =	sdelay $0x3  }
0x92: {  	_ =	strace s17  }
0x93: {  	s2 =	sld [smem:$0x3FFC];
	_ =	sdelay $0x3  }
0x94: {  	_ =	strace s2  }
0x95: {  	s2 =	sld [smem:$0x3FFD];
	_ =	sdelay $0x3  }
0x96: {  	_ =	strace s2  }
0x97: {  	_ =	strace $0x8FFFFFFF  }
0x98: {  	s18 =	sld [smem:$0x3FDB];
	_ =	sdelay $0x1  }
0x99: {  	s19 =	simm.s32 $_scs_section_size  }
0x9a: {  	s4 =	simm.s32 $_size__tile_overlayer_lowered;
	s5 =	simm.s32 $_tile_overlayer_lowered  }
0x9b: {  	s22 =	simm.s32 $0x1BFF;
	s21 =	sshll.u32 s5, $0x1;
	s2 =	sadd.s32 s19, s18  }
0x9c: {  	s6 =	simm.s32 $0x0;
	s20 =	sshll.u32 s4, $0x1;
	s4 =	sadd.s32 s21, s2  }
0x9d: {  	[timem:s6], [sflag:s22] =	dma.local [hbm:s4], s20  }
0x9e: {  	_ =	swait.ge [sflag:s22], s20  }
0x9f: {  	s3 =	ssub.s32 $0x0, s20;
	[sflag:s22] =	ssyncset.done $0x0  }
0xa0: {  	[sflag:s22] =	ssyncadd.s32 s3;
	_ =	sdelay $0x1  }
0xa1: {  	s23 =	simm.s32 $0x1B8B  }
0xa2: {  	_ =	swait.ge [sflag:s23], $0x1  }
0xa3: {  	[sflag:s23] =	ssyncset.done $0x0  }
0xa4: {  	s25 =	simm.s32 $0x1B8E;
	s24 =	sld [smem:$0x3FFE];
	[sflag:s23] =	ssyncadd.s32 $0xFFFFFFFF  }
0xa5: {  	s26 =	simm.s32 $execute0_lowered;
	[smem:$0x3FD2] =	sst s25  }
0xa6: {  	s4 =	sshll.u32 s26, $0x1;
	_ =	strace $0x80000046;
	[dreg:$0x1] =	wrdreg $0xFFFFFFFF  }
0xa7: {  	s28 =	simm.s32 $_size_execute0_lowered;
	s2 =	sadd.s32 s2, s4;
	[dreg:$0x0] =	wrdreg $0x0  }
0xa8: {  	s4 =	sshll.u32 s28, $0x1;
	[dreg:$0x2] =	wrdreg s2  }
0xa9: {  	[dreg:$0x3] =	wrdreg s4  }
0xaa: {  	[dreg:$0x4] =	wrdreg $0xC0  }
0xab: {  	_ =	task [dreg:s6], $0x5FFFF  }
0xac: {  	[dreg:$0x1] =	wrdreg $0xFFFFFFFF  }
0xad: {  	[dreg:$0x0] =	wrdreg $0x60  }
0xae: {  	[dreg:$0x2] =	wrdreg s24  }
0xaf: {  	[dreg:$0x3] =	wrdreg $0x9  }
0xb0: {  	_ =	task.clear_ibuf [dreg:s6], $0x4FFFF;
	_ =	strace $0x90000046  }
0xb1: {  	s29 =	simm.s32 $0x9;
	_ =	strace $0x80000048  }
0xb2: {  	_ =	swait.ge [sflag:s29], $0x1  }
0xb3: {  	[sflag:s29] =	ssyncadd.s32 $0xFFFFFFFF  }
0xb4: {  	_ =	strace $0x90000048  }
0xb5: {  	_ =	sfence  }
0xb6: {  	s30 =	sld [smem:$0x0];
	_ =	sdelay $0x2  }
0xb7: {  	s31 =	sshll.u32 s1, $0xD;
	s1 =	sshrl.u32 s1, $0x2  }
0xb8: {  	s3 =	sand.u32 $0x4000, s31;
	s1 =	sadd.s32 s1, s30  }
0xb9: {  	s0 =	sor.u32 s3, s0;
	s1 =	sshll.u32 s1, $0x11  }
0xba: {  	s0 =	sor.u32 s1, s0  }
0xbb: {  	s0 =	sadd.s32 $0x8F2B, s0  }
0xbc: {  	[sflag:s0] =	ssyncadd.remote.s32 $0x1  }
0xbd: {  	_ =	sfence.sel $0xFFFF  }
0xbe: {  	[dreg:$0x0] =	wrdreg $0xFFFFFFFF;
	(pc) =	sbr.abs _section_cstart, $3  }
0xbf: {  	[dreg:$0x1] =	wrdreg $0xFFFFFFFF  }
0xc0: {  	_ =	task.clear_ibuf [dreg:s6], $0x2FFFF;
	_ =	strace $0x9FFFFFFF  }
0xc1: {  	(tm) =	ssettm $0x7FFFFFFF  }
tec
execute0_lowered:
.L_overlay_start_1:
0x0: {  	(tag) =	ssettag $0x1  }
0x1: {  	s4 =	rddreg [dreg:$0x0]  }
0x2: {  	s0 =	srdreg.scid;
	s1 =	rddreg [dreg:$0x1];
	s2 =	simm.s32 $0x0  }
0x3: {  	s12 =	simm.s32 $0x400;
	s13 =	simm.s32 $0x100;
	s14 =	simm.s32 $0xA780  }
0x4: {  	s8 =	sand.u32 $0x1, s0;
	s0 =	stileid.u32;
	[smem:$0x7FF] =	sst s2  }
0x5: {  	s9 =	sadd.s32 $0xEC00, s4;
	s3 =	sshll.u32 s8, $0x4;
	_ =	strace $0x80000047  }
0x6: {  	s7 =	ssub.s32 $0x2, s8;
	s29 =	sshll.u32 s0, $0x4;
	s30 =	sshll.u32 s0, $0xA  }
0x7: {  	s11 =	sshll.u32 s0, $0x8;
	s8 =	sshll.u32 s8, $0xF;
	s5 =	sor.u32 s0, s3  }
0x8: {  	s10 =	sadd.s32 s3, s4;
	s26 =	sshrl.u32 s7, $0x1;
	s6 =	smul.u32 $0x4E2, s5  }
0x9: {  	s7 =	ssub.s32 s7, s26;
	s28 =	sshll.u32 s5, $0xB;
	s5 =	sand.u32 $0x70, s29  }
0xa: {  	s31 =	sadd.s32 s11, s10;
	s10 =	simm.s32 $0x2780;
	s11 =	simm.s32 $0x80  }
0xb: {  	s5 =	sadd.s32 s9, s5;
	s6 =	sadd.s32 s6, s4;
	s4 =	sand.u32 $0xC000, s28  }
0xc: {  	s7 =	smax.u32 s7, $0x1;
	s3 =	sadd.s32 $0x4E00, s6;
	s4 =	sadd.s32 s4, s5  }
0xd: {  	v0 =	vimm.f32 $0.0e+00;
	v1 =	vimm.f32 $1.000000000e+00;
	s5 =	sadd.s32 s9, s30;
	s6 =	sadd.s32 $0x1EC00, s31;
	s9 =	simm.s32 $0x1  }
.LBB2_1:
0xe: {  	s15 =	simm.s32 $0x40;
	s16 =	simm.s32 $0x0  }
.LBB2_2:
0xf: {  	p0 =	sne.s32 s15, $0xFFC0;
	[tilespmem:s16+$0x2780] =	vst v0;
	s16 =	smov.u32 s15;
	s15 =	sadd.s32 $0x40, s15  }
.Ltmp0:
0x10: {  	(pc) =	sbr.rel @p0 .LBB2_2-.Ltmp0, $2  }
0x11: {  	_ =	sdelay $0x2  }
0x12: {  	s16 =	sshra.s32 s16, $0x2  }
0x13: {  	[tilespmem:s16+$0x2780] =	vst v0;
	s15 =	simm.s32 $0x0  }
0x14: {  	[tilespmem:s15], [sflag:$0x1] =	stream.linear.gather [hbm4b:s3+s15], $0x2710, $0x38;
	[tilespmem:$0xAB80] =	vst v63  }
0x15: {  	_ =	swait.ge [sflag:s9], $0x2710  }
0x16: {  	[sflag:s9] =	ssyncset.done $0x0  }
0x17: {  	s16 =	simm.s32 $0x0;
	s15 =	simm.s32 $0x40;
	[sflag:s9] =	ssyncadd.s32 $0xFFFFD8F0  }
.LBB2_4:
0x18: {  	p0 =	sne.s32 s15, $0x9C00;
	v2 =	vld [tilespmem:s16+$0x0];
	_ =	sdelay $0x3  }
.Ltmp1:
0x19: {  	(pc) =	sbr.rel @p0 .LBB2_4-.Ltmp1, $2  }
0x1a: {  	_ =	sdelay $0x2  }
0x1b: {  	s16 =	sshra.s32 s15, $0x2;
	s15 =	sadd.s32 $0x40, s15;
	[tilespmem:v2+s10+$0x0] =	vst.idx.add.f32.msk $0xffff, v1  }
0x1c: {  	v2 =	vld [tilespmem:s16+$0x0];
	_ =	sdelay $0x7  }
0x1d: {  	s15 =	simm.s32 $0x0;
	[tilespmem:v2+s10+$0x0] =	vst.idx.add.f32.msk $0xffff, v1  }
0x1e: {  	[hbm4b:s4+s11] =	stream.strided.scatter [tilespmem:s10], [sflag:$0x1], $0x4000, s12, s11, $0x38;
	[tilespmem:$0xAB80] =	vst v63  }
0x1f: {  	s19 =	sand.u32 $0xC000, s8;
	s17 =	sand.u32 $0x2000, s15;
	_ =	swait.ge [sflag:s9], $0x4000  }
0x20: {  	s18 =	sand.u32 $0x380, s15;
	s16 =	sand.u32 $0x70, s15;
	[sflag:s9] =	ssyncset.done $0x0  }
0x21: {  	s18 =	sor.u32 s18, s17;
	s30 =	sadd.s32 s16, s5;
	[sflag:s9] =	ssyncadd.s32 $0xFFFFC000  }
0x22: {  	s20 =	sadd.s32 $0x6780, s18;
	s19 =	sadd.s32 s19, s30;
	[bflag:$0x0] =	sbarrier.arrive $0xFFFF  }
0x23: {  	[tilespmem:s20], [sflag:$0x1] =	stream.linear.gather [hbm4b:s19+s15], $0x80, $0x38;
	[tilespmem:$0xAB80] =	vst v63  }
0x24: {  	s31 =	sadd.s32 $0x6B80, s18;
	s17 =	sadd.s32 $0x80, s19  }
0x25: {  	[tilespmem:s31], [sflag:$0x1] =	stream.linear.gather [hbm4b:s17+s15], $0x80, $0x38;
	[tilespmem:$0xAB80] =	vst v63  }
0x26: {  	s22 =	sadd.s32 $0x6F80, s18;
	s21 =	sadd.s32 $0x100, s19  }
0x27: {  	[tilespmem:s22], [sflag:$0x1] =	stream.linear.gather [hbm4b:s21+s15], $0x80, $0x38;
	[tilespmem:$0xAB80] =	vst v63  }
0x28: {  	s24 =	sadd.s32 $0x7380, s18;
	s23 =	sadd.s32 $0x180, s19  }
0x29: {  	[tilespmem:s24], [sflag:$0x1] =	stream.linear.gather [hbm4b:s23+s15], $0x80, $0x38;
	[tilespmem:$0xAB80] =	vst v63  }
0x2a: {  	s26 =	sadd.s32 $0x7780, s18;
	s25 =	sadd.s32 $0x200, s19  }
0x2b: {  	[tilespmem:s26], [sflag:$0x1] =	stream.linear.gather [hbm4b:s25+s15], $0x80, $0x38;
	[tilespmem:$0xAB80] =	vst v63  }
0x2c: {  	s28 =	simm.s32 $0x400;
	s29 =	sadd.s32 $0x280, s19;
	s21 =	sadd.s32 $0x7B80, s18  }
0x2d: {  	[tilespmem:s21], [sflag:$0x1] =	stream.linear.gather [hbm4b:s29+s15], $0x80, $0x38;
	[tilespmem:$0xAB80] =	vst v63  }
0x2e: {  	s30 =	sadd.s32 $0x300, s19;
	s19 =	sadd.s32 $0x380, s19;
	s31 =	sadd.s32 $0x7F80, s18  }
0x2f: {  	[tilespmem:s31], [sflag:$0x1] =	stream.linear.gather [hbm4b:s30+s15], $0x80, $0x38;
	[tilespmem:$0xAB80] =	vst v63  }
0x30: {  	s20 =	simm.s32 $0x10;
	s17 =	sand.u32 $0x2000, s28;
	s18 =	sadd.s32 $0x8380, s18  }
0x31: {  	[tilespmem:s18], [sflag:$0x1] =	stream.linear.gather [hbm4b:s19+s15], $0x80, $0x38;
	[tilespmem:$0xAB80] =	vst v63  }
0x32: {  	s21 =	simm.s32 $0x800;
	s19 =	sadd.s32 $0x800, s8;
	_ =	swait.ge [sflag:s9], $0x400  }
0x33: {  	s18 =	simm.s32 $0x80;
	s22 =	sand.u32 $0xC000, s19;
	[sflag:s9] =	ssyncset.done $0x0  }
.LBB2_6:
0x34: {  	s23 =	sand.u32 $0x380, s18  }
0x35: {  	s24 =	sand.u32 $0x70, s20;
	[sflag:s9] =	ssyncadd.s32 $0xFFFFFC00;
	s25 =	smov.u32 s21  }
0x36: {  	s23 =	sor.u32 s23, s17;
	s17 =	sand.u32 $0x2000, s21;
	s24 =	sadd.s32 s24, s5  }
0x37: {  	s25 =	sadd.s32 $0x400, s21;
	s26 =	sadd.s32 $0x6780, s23;
	s22 =	sadd.s32 s22, s24  }
0x38: {  	[tilespmem:s26], [sflag:$0x1] =	stream.linear.gather [hbm4b:s22+s15], $0x80, $0x38;
	[tilespmem:$0xAB80] =	vst v63  }
0x39: {  	p0 =	sne.s32 s21, $0x3C00;
	s24 =	sadd.s32 $0x6B80, s23;
	s21 =	sadd.s32 $0x80, s22  }
0x3a: {  	[tilespmem:s24], [sflag:$0x1] =	stream.linear.gather [hbm4b:s21+s15], $0x80, $0x38;
	[tilespmem:$0xAB80] =	vst v63  }
0x3b: {  	s21 =	sadd.s32 $0x100, s22;
	s24 =	sadd.s32 $0x6F80, s23  }
0x3c: {  	[tilespmem:s24], [sflag:$0x1] =	stream.linear.gather [hbm4b:s21+s15], $0x80, $0x38;
	[tilespmem:$0xAB80] =	vst v63  }
0x3d: {  	s21 =	sadd.s32 $0x180, s22;
	s24 =	sadd.s32 $0x7380, s23  }
0x3e: {  	[tilespmem:s24], [sflag:$0x1] =	stream.linear.gather [hbm4b:s21+s15], $0x80, $0x38;
	[tilespmem:$0xAB80] =	vst v63  }
0x3f: {  	s21 =	sadd.s32 $0x200, s22;
	s24 =	sadd.s32 $0x7780, s23  }
0x40: {  	[tilespmem:s24], [sflag:$0x1] =	stream.linear.gather [hbm4b:s21+s15], $0x80, $0x38;
	[tilespmem:$0xAB80] =	vst v63  }
0x41: {  	s21 =	sadd.s32 $0x280, s22;
	s24 =	sadd.s32 $0x7B80, s23  }
0x42: {  	[tilespmem:s24], [sflag:$0x1] =	stream.linear.gather [hbm4b:s21+s15], $0x80, $0x38;
	[tilespmem:$0xAB80] =	vst v63  }
0x43: {  	s21 =	sadd.s32 $0x300, s22;
	s24 =	sadd.s32 $0x7F80, s23  }
0x44: {  	[tilespmem:s24], [sflag:$0x1] =	stream.linear.gather [hbm4b:s21+s15], $0x80, $0x38;
	[tilespmem:$0xAB80] =	vst v63  }
.Ltmp2:
0x45: {  	_ = 	snop;
	(pc) =	sbr.rel @p0 .LBB2_6-.Ltmp2, $4  }
0x46: {  	s18 =	sadd.s32 $0x80, s18;
	s21 =	sadd.s32 $0x380, s22;
	s22 =	sadd.s32 $0x8380, s23  }
0x47: {  	[tilespmem:s22], [sflag:$0x1] =	stream.linear.gather [hbm4b:s21+s15], $0x80, $0x38;
	[tilespmem:$0xAB80] =	vst v63  }
0x48: {  	s19 =	sadd.s32 $0x800, s19;
	s20 =	sadd.s32 $0x10, s20;
	_ =	swait.ge [sflag:s9], $0x400  }
0x49: {  	s22 =	sand.u32 $0xC000, s19;
	s21 =	smov.u32 s25;
	[sflag:s9] =	ssyncset.done $0x0  }
0x4a: {  	s18 =	sand.u32 $0x380, s18;
	s19 =	sand.u32 $0x70, s20  }
0x4b: {  	s17 =	sor.u32 s18, s17;
	s25 =	sadd.s32 s19, s5  }
0x4c: {  	[sflag:s9] =	ssyncadd.s32 $0xFFFFFC00;
	s26 =	sadd.s32 $0x6780, s17;
	s18 =	sadd.s32 s22, s25  }
0x4d: {  	[tilespmem:s26], [sflag:$0x1] =	stream.linear.gather [hbm4b:s18+s15], $0x80, $0x38;
	[tilespmem:$0xAB80] =	vst v63  }
0x4e: {  	s29 =	sadd.s32 $0x6B80, s17;
	s28 =	sadd.s32 $0x80, s18  }
0x4f: {  	[tilespmem:s29], [sflag:$0x1] =	stream.linear.gather [hbm4b:s28+s15], $0x80, $0x38;
	[tilespmem:$0xAB80] =	vst v63  }
0x50: {  	s31 =	sadd.s32 $0x6F80, s17;
	s30 =	sadd.s32 $0x100, s18  }
0x51: {  	[tilespmem:s31], [sflag:$0x1] =	stream.linear.gather [hbm4b:s30+s15], $0x80, $0x38;
	[tilespmem:$0xAB80] =	vst v63  }
0x52: {  	s22 =	sadd.s32 $0x7380, s17;
	s21 =	sadd.s32 $0x180, s18  }
0x53: {  	[tilespmem:s22], [sflag:$0x1] =	stream.linear.gather [hbm4b:s21+s15], $0x80, $0x38;
	[tilespmem:$0xAB80] =	vst v63  }
0x54: {  	s24 =	sadd.s32 $0x7780, s17;
	s23 =	sadd.s32 $0x200, s18  }
0x55: {  	[tilespmem:s24], [sflag:$0x1] =	stream.linear.gather [hbm4b:s23+s15], $0x80, $0x38;
	[tilespmem:$0xAB80] =	vst v63  }
0x56: {  	s25 =	sadd.s32 $0x280, s18;
	s26 =	sadd.s32 $0x7B80, s17  }
0x57: {  	[tilespmem:s26], [sflag:$0x1] =	stream.linear.gather [hbm4b:s25+s15], $0x80, $0x38;
	[tilespmem:$0xAB80] =	vst v63  }
0x58: {  	s28 =	sadd.s32 $0x300, s18;
	s29 =	sadd.s32 $0x7F80, s17  }
0x59: {  	[tilespmem:s29], [sflag:$0x1] =	stream.linear.gather [hbm4b:s28+s15], $0x80, $0x38;
	[tilespmem:$0xAB80] =	vst v63  }
0x5a: {  	s18 =	sadd.s32 $0x380, s18;
	s17 =	sadd.s32 $0x8380, s17  }
0x5b: {  	[tilespmem:s17], [sflag:$0x1] =	stream.linear.gather [hbm4b:s18+s15], $0x80, $0x38;
	[tilespmem:$0xAB80] =	vst v63  }
0x5c: {  	_ =	swait.ge [sflag:s9], $0x400  }
0x5d: {  	s30 =	sand.u32 $0x1C00, s15;
	[sflag:s9] =	ssyncset.done $0x0  }
0x5e: {  	s15 =	sor.u32 s16, s30;
	[sflag:s9] =	ssyncadd.s32 $0xFFFFFC00  }
0x5f: {  	v2 =	vld [tilespmem:s15+$0x6780];
	_ =	sdelay $0x1  }
0x60: {  	v3 =	vld [tilespmem:s15+$0x6800];
	_ =	sdelay $0x1  }
0x61: {  	v4 =	vld [tilespmem:s15+$0x6880]  }
0x62: {  	v2 =	vadd.f32 $0.0e+00, v2  }
0x63: {  	v5 =	vld [tilespmem:s15+$0x6900]  }
0x64: {  	v2 =	vadd.f32 v3, v2  }
0x65: {  	v3 =	vld [tilespmem:s15+$0x6980]  }
0x66: {  	v2 =	vadd.f32 v4, v2  }
0x67: {  	v56 =	vld [tilespmem:s15+$0x6A00]  }
0x68: {  	v2 =	vadd.f32 v5, v2  }
0x69: {  	v57 =	vld [tilespmem:s15+$0x6A80]  }
0x6a: {  	v2 =	vadd.f32 v3, v2  }
0x6b: {  	v3 =	vld [tilespmem:s15+$0x6B00]  }
0x6c: {  	v2 =	vadd.f32 v56, v2  }
0x6d: {  	v58 =	vld [tilespmem:s15+$0x8780]  }
0x6e: {  	v2 =	vadd.f32 v57, v2  }
0x6f: {  	v59 =	vld [tilespmem:s15+$0x8800]  }
0x70: {  	v2 =	vadd.f32 v3, v2  }
0x71: {  	v3 =	vld [tilespmem:s15+$0x8880]  }
0x72: {  	v2 =	vadd.f32 v58, v2  }
0x73: {  	v60 =	vld [tilespmem:s15+$0x8900]  }
0x74: {  	v2 =	vadd.f32 v59, v2  }
0x75: {  	v61 =	vld [tilespmem:s15+$0x8980]  }
0x76: {  	v2 =	vadd.f32 v3, v2  }
0x77: {  	v3 =	vld [tilespmem:s15+$0x8A00]  }
0x78: {  	v2 =	vadd.f32 v60, v2  }
0x79: {  	v62 =	vld [tilespmem:s15+$0x8A80]  }
0x7a: {  	v2 =	vadd.f32 v61, v2  }
0x7b: {  	v63 =	vld [tilespmem:s15+$0x8B00]  }
0x7c: {  	v2 =	vadd.f32 v3, v2;
	_ =	sdelay $0x1  }
0x7d: {  	v2 =	vadd.f32 v62, v2  }
0x7e: {  	s31 =	simm.s32 $0x10  }
0x7f: {  	s16 =	simm.s32 $0x80;
	s18 =	sand.u32 $0x70, s31;
	v2 =	vadd.f32 v63, v2  }
0x80: {  	s17 =	simm.s32 $0x20;
	s19 =	sand.u32 $0x1C00, s16;
	s15 =	simm.s32 $0xA780  }
.LBB2_8:
0x81: {  	p0 =	sne.s32 s17, $0x3F0;
	s18 =	sor.u32 s18, s19;
	[tilespmem:s15+$0x0] =	vst v2  }
0x82: {  	v2 =	vld [tilespmem:s18+$0x6780];
	_ =	sdelay $0x1  }
0x83: {  	v3 =	vld [tilespmem:s18+$0x6800];
	_ =	sdelay $0x1  }
0x84: {  	v4 =	vld [tilespmem:s18+$0x6880]  }
0x85: {  	v2 =	vadd.f32 $0.0e+00, v2  }
0x86: {  	v5 =	vld [tilespmem:s18+$0x6900]  }
0x87: {  	v2 =	vadd.f32 v3, v2  }
0x88: {  	v3 =	vld [tilespmem:s18+$0x6980]  }
0x89: {  	v2 =	vadd.f32 v4, v2  }
0x8a: {  	v4 =	vld [tilespmem:s18+$0x6A00]  }
0x8b: {  	v2 =	vadd.f32 v5, v2  }
0x8c: {  	v5 =	vld [tilespmem:s18+$0x6A80]  }
0x8d: {  	v2 =	vadd.f32 v3, v2  }
0x8e: {  	v3 =	vld [tilespmem:s18+$0x6B00]  }
0x8f: {  	v2 =	vadd.f32 v4, v2  }
0x90: {  	v4 =	vld [tilespmem:s18+$0x8780]  }
0x91: {  	v2 =	vadd.f32 v5, v2  }
0x92: {  	v5 =	vld [tilespmem:s18+$0x8800]  }
0x93: {  	v2 =	vadd.f32 v3, v2  }
0x94: {  	v3 =	vld [tilespmem:s18+$0x8880]  }
0x95: {  	v2 =	vadd.f32 v4, v2  }
0x96: {  	v4 =	vld [tilespmem:s18+$0x8900]  }
0x97: {  	v2 =	vadd.f32 v5, v2  }
0x98: {  	v5 =	vld [tilespmem:s18+$0x8980]  }
0x99: {  	v2 =	vadd.f32 v3, v2  }
0x9a: {  	v3 =	vld [tilespmem:s18+$0x8A00]  }
0x9b: {  	v2 =	vadd.f32 v4, v2  }
0x9c: {  	v4 =	vld [tilespmem:s18+$0x8A80]  }
0x9d: {  	v2 =	vadd.f32 v5, v2  }
0x9e: {  	v5 =	vld [tilespmem:s18+$0x8B00]  }
0x9f: {  	v2 =	vadd.f32 v3, v2  }
.Ltmp3:
0xa0: {  	(pc) =	sbr.rel @p0 .LBB2_8-.Ltmp3, $3  }
0xa1: {  	v2 =	vadd.f32 v4, v2;
	_ =	sdelay $0x1  }
0xa2: {  	s16 =	sadd.s32 $0x80, s16;
	s15 =	sadd.s32 $0x10, s15;
	v2 =	vadd.f32 v5, v2  }
0xa3: {  	s19 =	sand.u32 $0x1C00, s16;
	s18 =	sand.u32 $0x70, s17;
	s17 =	sadd.s32 $0x10, s17  }
0xa4: {  	s16 =	sor.u32 s18, s19;
	[tilespmem:s15+$0x0] =	vst v2  }
0xa5: {  	v2 =	vld [tilespmem:s16+$0x6780];
	_ =	sdelay $0x1  }
0xa6: {  	v3 =	vld [tilespmem:s16+$0x6800];
	_ =	sdelay $0x1  }
0xa7: {  	v4 =	vld [tilespmem:s16+$0x6880]  }
0xa8: {  	v2 =	vadd.f32 $0.0e+00, v2  }
0xa9: {  	v5 =	vld [tilespmem:s16+$0x6900]  }
0xaa: {  	v2 =	vadd.f32 v3, v2  }
0xab: {  	v3 =	vld [tilespmem:s16+$0x6980]  }
0xac: {  	v2 =	vadd.f32 v4, v2  }
0xad: {  	v56 =	vld [tilespmem:s16+$0x6A00]  }
0xae: {  	v2 =	vadd.f32 v5, v2  }
0xaf: {  	v57 =	vld [tilespmem:s16+$0x6A80]  }
0xb0: {  	v2 =	vadd.f32 v3, v2  }
0xb1: {  	v3 =	vld [tilespmem:s16+$0x6B00]  }
0xb2: {  	v2 =	vadd.f32 v56, v2  }
0xb3: {  	v58 =	vld [tilespmem:s16+$0x8780]  }
0xb4: {  	v2 =	vadd.f32 v57, v2  }
0xb5: {  	v59 =	vld [tilespmem:s16+$0x8800]  }
0xb6: {  	v2 =	vadd.f32 v3, v2  }
0xb7: {  	v3 =	vld [tilespmem:s16+$0x8880]  }
0xb8: {  	v2 =	vadd.f32 v58, v2  }
0xb9: {  	v60 =	vld [tilespmem:s16+$0x8900]  }
0xba: {  	v2 =	vadd.f32 v59, v2  }
0xbb: {  	v61 =	vld [tilespmem:s16+$0x8980]  }
0xbc: {  	v2 =	vadd.f32 v3, v2  }
0xbd: {  	v3 =	vld [tilespmem:s16+$0x8A00]  }
0xbe: {  	v2 =	vadd.f32 v60, v2  }
0xbf: {  	v62 =	vld [tilespmem:s16+$0x8A80]  }
0xc0: {  	v2 =	vadd.f32 v61, v2  }
0xc1: {  	v63 =	vld [tilespmem:s16+$0x8B00]  }
0xc2: {  	v2 =	vadd.f32 v3, v2;
	_ =	sdelay $0x1  }
0xc3: {  	v2 =	vadd.f32 v62, v2;
	_ =	sdelay $0x1  }
0xc4: {  	s2 =	sadd.s32 $0x1, s2;
	v2 =	vadd.f32 v63, v2  }
0xc5: {  	s31 =	sadd.s32 $0x10, s15;
	p0 =	sne.s32 s2, s7  }
.Ltmp4:
0xc6: {  	[tilespmem:s31+$0x0] =	vst v2;
	(pc) =	sbr.rel @p0 .LBB2_1-.Ltmp4, $4  }
0xc7: {  	[hbm4b:s6+s11] =	stream.strided.scatter [tilespmem:s14], [sflag:$0x1], $0x400, s13, s11, $0x38;
	[tilespmem:$0xAB80] =	vst v63  }
0xc8: {  	_ =	swait.ge [sflag:s9], $0x400  }
0xc9: {  	[sflag:s9] =	ssyncset.done $0x0  }
0xca: {  	[sflag:s9] =	ssyncadd.s32 $0xFFFFFC00  }
0xcb: {  	_ =	sfence.sel $0x180000  }
0xcc: {  	[bflag:$0x0] =	sbarrier.arrive $0xFFFF  }
0xcd: {  	p0 =	sne.s32 s0, $0x0;
	_ =	strace $0x90000047  }
0xce: {  	s0 =	sadd.s32 @!p0 $0x100000, s1;
	[bflag:$0x2] =	sbarrier.arrive $0xFFFF  }
0xcf: {  	[sflag:s0] =	ssyncadd.tile.s32 @!p0 $0x1;
	_ =	shalt  }
.Lfunc_end2:
_tile_overlayer_lowered:
.L_overlay_start_2:
0xd0: {  	(tag) =	ssettag $0x2  }
0xd1: {  	s0 =	rddreg [dreg:$0x0];
	s2 =	stileid.u32  }
0xd2: {  	s1 =	rddreg [dreg:$0x1];
	p0 =	sne.s32 s2, $0x0  }
0xd3: {  	s3 =	rddreg [dreg:$0x2];
	[bflag:$0x3] =	sbarrier.arrive $0xFFFF;
	s2 =	simm.s32 @!p0 $0x1C01  }
0xd4: {  	[timem:s3], [sflag:s2] =	dma.local @!p0 [hbm:s0], s1  }
0xd5: {  	s0 =	simm.s32 @!p0 $0x1  }
0xd6: {  	_ =	swait.ge @!p0 [sflag:s0], s1  }
0xd7: {  	s1 =	ssub.s32 @!p0 $0x0, s1;
	[sflag:s0] =	ssyncset.done @!p0 $0x0  }
0xd8: {  	[sflag:s0] =	ssyncadd.s32 @!p0 s1  }
0xd9: {  	[bflag:$0x3] =	sbarrier.arrive $0xFFFF  }
0xda: {  	_ =	shalt  }

</sc_bundles>
